<compile_context>
chip_gen: v7x
topology: tpu7x:2x2x1
jax: 0.10.2.dev20260603
libtpu: 0.0.44.dev20260713+nightly
codegen_flags: <defaults>
</compile_context>

<pallas_src>
import functools
import jax
import jax.numpy as jnp
from jax import lax
from jax.experimental import pallas as pl
from jax.experimental.pallas import tpu as pltpu
from jax.experimental.pallas import tpu_sc as plsc

NUM_ROWS = 16384
NUM_COLS = 1000
FAT_COLS = 896
TAIL_COLS = NUM_COLS - FAT_COLS
BLOCK_ROWS = 1024
NUM_WORKERS = 32
ROWS_PER_W = NUM_ROWS // NUM_WORKERS

_MESH = plsc.VectorSubcoreMesh(core_axis_name="c", subcore_axis_name="s")


@functools.partial(
    pl.kernel,
    out_type=jax.ShapeDtypeStruct((NUM_ROWS, NUM_COLS), jnp.float32),
    mesh=_MESH,
    scratch_types=[
        pltpu.VMEM((ROWS_PER_W,), jnp.int32),
        pltpu.VMEM((ROWS_PER_W, TAIL_COLS), jnp.float32),
    ],
    compiler_params=pltpu.CompilerParams(needs_layout_passes=False),
)
def _sc_tail(x_hbm, out_hbm, xv, blk):
    wid = lax.axis_index("s") * 2 + lax.axis_index("c")
    base = wid * ROWS_PER_W
    pltpu.sync_copy(x_hbm.at[pl.ds(base, ROWS_PER_W)], xv)

    zeros16 = jnp.zeros((16,), jnp.float32)
    ones16 = jnp.ones((16,), jnp.float32)
    iota16 = lax.iota(jnp.int32, 16)

    def zero_row(r, carry):
        for c0 in range(0, 96, 16):
            blk[r, pl.ds(c0, 16)] = zeros16
        plsc.store_scatter(
            blk,
            [jnp.full((16,), r, jnp.int32), iota16 + 96],
            zeros16,
            mask=iota16 < (TAIL_COLS - 96),
        )
        return carry

    lax.fori_loop(0, ROWS_PER_W, zero_row, 0)

    def poke(i, carry):
        xvv = xv[pl.ds(i * 16, 16)]
        ridx = i * 16 + iota16
        cidx = xvv - FAT_COLS
        plsc.store_scatter(blk, [ridx, cidx], ones16, mask=xvv >= FAT_COLS)
        return carry

    lax.fori_loop(0, ROWS_PER_W // 16, poke, 0)

    pltpu.sync_copy(
        blk,
        out_hbm.at[pl.ds(base, ROWS_PER_W), pl.ds(FAT_COLS, TAIL_COLS)],
    )


FB_ROWS = 512
FB_SLOTS = 8
FB_CHUNKS = NUM_ROWS // FB_ROWS
FB_ROUNDS = FB_CHUNKS // FB_SLOTS


def _fat_copy(o_ref, buf_ref, sem_ref, k, ci):
    return pltpu.make_async_copy(
        buf_ref.at[k],
        o_ref.at[pl.ds(ci * FB_ROWS, FB_ROWS), pl.ds(0, FAT_COLS)],
        sem_ref.at[k],
    )


def _fat_body(x_ref, prev_ref, o_ref, buf_ref, sem_ref):
    def one_round(r, carry):
        for k in range(FB_SLOTS):
            ci = r * FB_SLOTS + k

            @pl.when(r > 0)
            def _wait_prev():
                _fat_copy(o_ref, buf_ref, sem_ref, k, ci).wait()

            xs = x_ref[0, pl.ds(ci * FB_ROWS, FB_ROWS)]
            cols = lax.broadcasted_iota(jnp.int32, (FB_ROWS, FAT_COLS), 1)
            buf_ref[k] = (cols == xs[:, None]).astype(jnp.float32)
            _fat_copy(o_ref, buf_ref, sem_ref, k, ci).start()
        return carry

    lax.fori_loop(0, FB_ROUNDS, one_round, 0)
    for k in range(FB_SLOTS):
        ci = (FB_ROUNDS - 1) * FB_SLOTS + k
        _fat_copy(o_ref, buf_ref, sem_ref, k, ci).wait()


def kernel(x):
    xi = x.astype(jnp.int32)
    out0 = _sc_tail(xi)
    x2 = xi.reshape(1, NUM_ROWS)
    out = pl.pallas_call(
        _fat_body,
        in_specs=[
            pl.BlockSpec(memory_space=pltpu.VMEM),
            pl.BlockSpec(memory_space=pl.ANY),
        ],
        out_specs=pl.BlockSpec(memory_space=pl.ANY),
        out_shape=jax.ShapeDtypeStruct((NUM_ROWS, NUM_COLS), jnp.float32),
        scratch_shapes=[
            pltpu.VMEM((FB_SLOTS, FB_ROWS, FAT_COLS), jnp.float32),
            pltpu.SemaphoreType.DMA((FB_SLOTS,)),
        ],
        input_output_aliases={1: 0},
    )(x2, out0)
    return out

# --- scband reference (transcript-rebuilt; emitter-appended) ---
"""Pipeline reference for scband-onehotify-16209206575122 (READ-ONLY COPY).

The authoritative reference and input builder live on the scoring server;
editing this copy changes nothing except your own understanding.
"""

import jax, jax.numpy as jnp
import numpy as np

NUM_CLASSES = 1000

def setup_inputs(seed: int = 0) -> dict:
    key = jax.random.key(seed)
    x = jax.random.randint(key, (16384,), 0, NUM_CLASSES, dtype=jnp.int64 if jax.config.jax_enable_x64 else jnp.int32)
    return {"x": x}

def reference(x) -> jnp.ndarray:
    # Faithful translation of torch.nn.functional.one_hot(x, num_classes).float()
    return jax.nn.one_hot(x, NUM_CLASSES, dtype=jnp.float32)

if __name__ == "__main__":
    import jax
    _d = setup_inputs()
    print(jax.jit(kernel)(*tuple(_d.values())))

</pallas_src>

<mosaic_0001>
#map = affine_map<(d0, d1) -> (0)>
#map1 = affine_map<(d0, d1) -> (0, 0)>
module attributes {stable_mosaic.version = 14 : i64} {
  func.func @_sc_tail(%arg0: i32, %arg1: i32, %arg2: memref<16384xi32, #tpu.memory_space<hbm>>, %arg3: memref<16384x1000xf32, #tpu.memory_space<hbm>>, %arg4: memref<512xi32, #tpu.memory_space<vmem>>, %arg5: memref<512x104xf32, #tpu.memory_space<vmem>>) attributes {dimension_semantics = [#tpu.dimension_semantics<core_parallel>, #tpu.dimension_semantics<subcore_parallel>], iteration_bounds = array<i64: 2, 16>, scalar_prefetch = 0 : i64, scratch_operands = 2 : i64, tpu.core_type = #tpu.core_type<sc_vector_subcore>, window_params = [{transform_indices = #map}, {transform_indices = #map1}]} {
    %mul3A = arith.constant 2 : i32
    %mul3A_0 = arith.muli %arg1, %mul3A : i32
    %add3A = arith.addi %mul3A_0, %arg0 : i32
    %mul3A_1 = arith.constant 512 : i32
    %mul3A_2 = arith.muli %add3A, %mul3A_1 : i32
    "tpu.region"() ({
      %run_scoped3A = tpu.sem_alloc : memref<!tpu.dma_semaphore, #tpu.memory_space<semaphore_mem>>
      %dma_start3A = tpu.memref_slice %arg2[%mul3A_2] : memref<16384xi32, #tpu.memory_space<hbm>> -> memref<512xi32, #tpu.memory_space<hbm>>
      %dma_start3A_17 = tpu.memref_slice %arg2[%mul3A_2] : memref<16384xi32, #tpu.memory_space<hbm>> -> memref<512xi32, #tpu.memory_space<hbm>>
      tpu.enqueue_dma source(%dma_start3A_17 : memref<512xi32, #tpu.memory_space<hbm>>) target(%arg4 : memref<512xi32, #tpu.memory_space<vmem>>) target_semaphore(%run_scoped3A : memref<!tpu.dma_semaphore, #tpu.memory_space<semaphore_mem>>)
      %dma_wait3A = tpu.memref_slice %arg2[%mul3A_2] : memref<16384xi32, #tpu.memory_space<hbm>> -> memref<512xi32, #tpu.memory_space<hbm>>
      %dma_wait3A_18 = tpu.memref_slice %arg2[%mul3A_2] : memref<16384xi32, #tpu.memory_space<hbm>> -> memref<512xi32, #tpu.memory_space<hbm>>
      tpu.wait_dma2 semaphore(%run_scoped3A : memref<!tpu.dma_semaphore, #tpu.memory_space<semaphore_mem>>) src(%dma_wait3A_18 : memref<512xi32, #tpu.memory_space<hbm>>) dst(%arg4 : memref<512xi32, #tpu.memory_space<vmem>>)
      tpu.yield
    }) : () -> ()
    %broadcast_in_dim3A = arith.constant 0.000000e+00 : f32
    %broadcast_in_dim3A_3 = vector.broadcast %broadcast_in_dim3A : f32 to vector<16xf32>
    %broadcast_in_dim3A_4 = arith.constant 1.000000e+00 : f32
    %broadcast_in_dim3A_5 = vector.broadcast %broadcast_in_dim3A_4 : f32 to vector<16xf32>
    %iota3A = tpu.iota {dimensions = array<i32: 0>} : vector<16xi32>
    %scan3A = arith.constant 0 : i32
    %scan3A_6 = arith.constant 0 : i32
    %scan3A_7 = arith.constant 512 : i32
    %scan3A_8 = arith.addi %scan3A_6, %scan3A_7 : i32
    %scan3A_9 = arith.constant 1 : i32
    scf.for %scan3A_17 = %scan3A_6 to %scan3A_8 step %scan3A_9  : i32 {
      %swap3A = arith.index_cast %scan3A_17 : i32 to index
      %swap3A_18 = arith.constant 0 : index
      %swap3A_19 = tpu.vector_load %arg5[%swap3A, %swap3A_18] {strides = array<i32>} : memref<512x104xf32, #tpu.memory_space<vmem>>, vector<16xf32>,
      tpu.vector_store %arg5[%swap3A, %swap3A_18], %broadcast_in_dim3A_3 {strides = array<i32>} : memref<512x104xf32, #tpu.memory_space<vmem>>, vector<16xf32>,
      %swap3A_20 = arith.index_cast %scan3A_17 : i32 to index
      %swap3A_21 = arith.constant 16 : index
      %swap3A_22 = tpu.vector_load %arg5[%swap3A_20, %swap3A_21] {strides = array<i32>} : memref<512x104xf32, #tpu.memory_space<vmem>>, vector<16xf32>,
      tpu.vector_store %arg5[%swap3A_20, %swap3A_21], %broadcast_in_dim3A_3 {strides = array<i32>} : memref<512x104xf32, #tpu.memory_space<vmem>>, vector<16xf32>,
      %swap3A_23 = arith.index_cast %scan3A_17 : i32 to index
      %swap3A_24 = arith.constant 32 : index
      %swap3A_25 = tpu.vector_load %arg5[%swap3A_23, %swap3A_24] {strides = array<i32>} : memref<512x104xf32, #tpu.memory_space<vmem>>, vector<16xf32>,
      tpu.vector_store %arg5[%swap3A_23, %swap3A_24], %broadcast_in_dim3A_3 {strides = array<i32>} : memref<512x104xf32, #tpu.memory_space<vmem>>, vector<16xf32>,
      %swap3A_26 = arith.index_cast %scan3A_17 : i32 to index
      %swap3A_27 = arith.constant 48 : index
      %swap3A_28 = tpu.vector_load %arg5[%swap3A_26, %swap3A_27] {strides = array<i32>} : memref<512x104xf32, #tpu.memory_space<vmem>>, vector<16xf32>,
      tpu.vector_store %arg5[%swap3A_26, %swap3A_27], %broadcast_in_dim3A_3 {strides = array<i32>} : memref<512x104xf32, #tpu.memory_space<vmem>>, vector<16xf32>,
      %swap3A_29 = arith.index_cast %scan3A_17 : i32 to index
      %swap3A_30 = arith.constant 64 : index
      %swap3A_31 = tpu.vector_load %arg5[%swap3A_29, %swap3A_30] {strides = array<i32>} : memref<512x104xf32, #tpu.memory_space<vmem>>, vector<16xf32>,
      tpu.vector_store %arg5[%swap3A_29, %swap3A_30], %broadcast_in_dim3A_3 {strides = array<i32>} : memref<512x104xf32, #tpu.memory_space<vmem>>, vector<16xf32>,
      %swap3A_32 = arith.index_cast %scan3A_17 : i32 to index
      %swap3A_33 = arith.constant 80 : index
      %swap3A_34 = tpu.vector_load %arg5[%swap3A_32, %swap3A_33] {strides = array<i32>} : memref<512x104xf32, #tpu.memory_space<vmem>>, vector<16xf32>,
      tpu.vector_store %arg5[%swap3A_32, %swap3A_33], %broadcast_in_dim3A_3 {strides = array<i32>} : memref<512x104xf32, #tpu.memory_space<vmem>>, vector<16xf32>,
      %broadcast_in_dim3A_35 = vector.broadcast %scan3A_17 : i32 to vector<16xi32>
      %add3A_36 = arith.constant 96 : i32
      %add3A_37 = vector.broadcast %add3A_36 : i32 to vector<16xi32>
      %add3A_38 = arith.addi %iota3A, %add3A_37 : vector<16xi32>
      %lt3A = arith.constant 8 : i32
      %lt3A_39 = vector.broadcast %lt3A : i32 to vector<16xi32>
      %lt3A_40 = arith.cmpi slt, %iota3A, %lt3A_39 : vector<16xi32>
      tpu.vector_store_idx %arg5[%broadcast_in_dim3A_35, %add3A_38], %broadcast_in_dim3A_3 masked %lt3A_40 : memref<512x104xf32, #tpu.memory_space<vmem>>[vector<16xi32>, vector<16xi32>], vector<16xf32>, vector<16xi1>
    }
    %scan3A_10 = arith.constant 512 : i32
    %scan3A_11 = arith.constant 0 : i32
    %scan3A_12 = arith.constant 0 : i32
    %scan3A_13 = arith.constant 32 : i32
    %scan3A_14 = arith.addi %scan3A_12, %scan3A_13 : i32
    %scan3A_15 = arith.constant 1 : i32
    scf.for %scan3A_17 = %scan3A_12 to %scan3A_14 step %scan3A_15  : i32 {
      %mul3A_18 = arith.constant 16 : i32
      %mul3A_19 = arith.muli %scan3A_17, %mul3A_18 : i32
      %get3A = arith.index_cast %mul3A_19 : i32 to index
      %get3A_20 = tpu.vector_load %arg4[%get3A] {strides = array<i32>} : memref<512xi32, #tpu.memory_space<vmem>>, vector<16xi32>,
      %mul3A_21 = arith.constant 16 : i32
      %mul3A_22 = arith.muli %scan3A_17, %mul3A_21 : i32
      %add3A_23 = vector.broadcast %mul3A_22 : i32 to vector<16xi32>
      %add3A_24 = arith.addi %add3A_23, %iota3A : vector<16xi32>
      %sub3A = arith.constant 896 : i32
      %sub3A_25 = vector.broadcast %sub3A : i32 to vector<16xi32>
      %sub3A_26 = arith.subi %get3A_20, %sub3A_25 : vector<16xi32>
      %ge3A = arith.constant 896 : i32
      %ge3A_27 = vector.broadcast %ge3A : i32 to vector<16xi32>
      %ge3A_28 = arith.cmpi sge, %get3A_20, %ge3A_27 : vector<16xi32>
      tpu.vector_store_idx %arg5[%add3A_24, %sub3A_26], %broadcast_in_dim3A_5 masked %ge3A_28 : memref<512x104xf32, #tpu.memory_space<vmem>>[vector<16xi32>, vector<16xi32>], vector<16xf32>, vector<16xi1>
    }
    %scan3A_16 = arith.constant 32 : i32
    "tpu.region"() ({
      %run_scoped3A = tpu.sem_alloc : memref<!tpu.dma_semaphore, #tpu.memory_space<semaphore_mem>>
      %dma_start3A = arith.constant 896 : i32
      %dma_start3A_17 = tpu.memref_slice %arg3[%mul3A_2, %dma_start3A] : memref<16384x1000xf32, #tpu.memory_space<hbm>> -> memref<512x104xf32, #tpu.memory_space<hbm>>
      %dma_start3A_18 = arith.constant 896 : i32
      %dma_start3A_19 = tpu.memref_slice %arg3[%mul3A_2, %dma_start3A_18] : memref<16384x1000xf32, #tpu.memory_space<hbm>> -> memref<512x104xf32, #tpu.memory_space<hbm>>
      tpu.enqueue_dma source(%arg5 : memref<512x104xf32, #tpu.memory_space<vmem>>) target(%dma_start3A_19 : memref<512x104xf32, #tpu.memory_space<hbm>>) target_semaphore(%run_scoped3A : memref<!tpu.dma_semaphore, #tpu.memory_space<semaphore_mem>>)
      %dma_wait3A = arith.constant 896 : i32
      %dma_wait3A_20 = tpu.memref_slice %arg3[%mul3A_2, %dma_wait3A] : memref<16384x1000xf32, #tpu.memory_space<hbm>> -> memref<512x104xf32, #tpu.memory_space<hbm>>
      %dma_wait3A_21 = arith.constant 896 : i32
      %dma_wait3A_22 = tpu.memref_slice %arg3[%mul3A_2, %dma_wait3A_21] : memref<16384x1000xf32, #tpu.memory_space<hbm>> -> memref<512x104xf32, #tpu.memory_space<hbm>>
      tpu.wait_dma2 semaphore(%run_scoped3A : memref<!tpu.dma_semaphore, #tpu.memory_space<semaphore_mem>>) src(%arg5 : memref<512x104xf32, #tpu.memory_space<vmem>>) dst(%dma_wait3A_22 : memref<512x104xf32, #tpu.memory_space<hbm>>)
      tpu.yield
    }) : () -> ()
    return
  }
}

module attributes {stable_mosaic.version = 14 : i64} {
  func.func @_fat_body(%arg0: memref<1x16384xi32, #tpu.memory_space<vmem>>, %arg1: memref<16384x1000xf32, #tpu.memory_space<any>>, %arg2: memref<16384x1000xf32, #tpu.memory_space<any>>, %arg3: memref<8x512x896xf32, #tpu.memory_space<vmem>>, %arg4: memref<8x!tpu.dma_semaphore, #tpu.memory_space<semaphore_mem>>) attributes {dimension_semantics = [], scalar_prefetch = 0 : i64, scratch_operands = 2 : i64, tpu.core_type = #tpu.core_type<tc>} {
    %scan3A = arith.constant 0 : i32
    %scan3A_0 = arith.constant 4 : i32
    %scan3A_1 = arith.addi %scan3A, %scan3A_0 : i32
    %scan3A_2 = arith.constant 1 : i32
    scf.for %scan3A_91 = %scan3A to %scan3A_1 step %scan3A_2  : i32 {
      %mul3A = arith.constant 8 : i32
      %mul3A_92 = arith.muli %scan3A_91, %mul3A : i32
      %add3A = arith.constant 0 : i32
      %add3A_93 = arith.addi %mul3A_92, %add3A : i32
      %gt3A = arith.constant 0 : i32
      %gt3A_94 = arith.cmpi sgt, %scan3A_91, %gt3A : i32
      %convert_element_type3A = arith.extui %gt3A_94 : i1 to i32
      %cond3A = arith.constant 0 : i32
      %cond3A_95 = arith.cmpi ne, %convert_element_type3A, %cond3A : i32
      scf.if %cond3A_95 {
        %mul3A_393 = arith.constant 512 : i32
        %mul3A_394 = arith.muli %add3A_93, %mul3A_393 : i32
        %dma_wait3A_395 = arith.constant 0 : i32
        %dma_wait3A_396 = arith.constant 0 : i32
        %dma_wait3A_397 = tpu.memref_slice %arg4[%dma_wait3A_396] : memref<8x!tpu.dma_semaphore, #tpu.memory_space<semaphore_mem>> -> memref<1x!tpu.dma_semaphore, #tpu.memory_space<semaphore_mem>>
        %dma_wait3A_398 = tpu.memref_squeeze %dma_wait3A_397 : memref<1x!tpu.dma_semaphore, #tpu.memory_space<semaphore_mem>> -> memref<!tpu.dma_semaphore, #tpu.memory_space<semaphore_mem>>
        %dma_wait3A_399 = arith.constant 0 : i32
        %dma_wait3A_400 = tpu.memref_slice %arg2[%mul3A_394, %dma_wait3A_399] : memref<16384x1000xf32, #tpu.memory_space<any>> -> memref<512x896xf32, #tpu.memory_space<any>>
        %dma_wait3A_401 = arith.constant 0 : i32
        %dma_wait3A_402 = arith.constant 0 : i32
        %dma_wait3A_403 = tpu.memref_slice %arg3[%dma_wait3A_395, %dma_wait3A_401, %dma_wait3A_402] : memref<8x512x896xf32, #tpu.memory_space<vmem>> -> memref<1x512x896xf32, #tpu.memory_space<vmem>>
        %dma_wait3A_404 = tpu.memref_squeeze %dma_wait3A_403 : memref<1x512x896xf32, #tpu.memory_space<vmem>> -> memref<512x896xf32, #tpu.memory_space<vmem>>
        tpu.wait_dma2 semaphore(%dma_wait3A_398 : memref<!tpu.dma_semaphore, #tpu.memory_space<semaphore_mem>>) src(%dma_wait3A_404 : memref<512x896xf32, #tpu.memory_space<vmem>>) dst(%dma_wait3A_400 : memref<512x896xf32, #tpu.memory_space<any>>)
      } else {
      }
      %mul3A_96 = arith.constant 512 : i32
      %mul3A_97 = arith.muli %add3A_93, %mul3A_96 : i32
      %get3A = arith.constant 0 : index
      %get3A_98 = arith.index_cast %mul3A_97 : i32 to index
      %get3A_99 = vector.load %arg0[%get3A, %get3A_98] : memref<1x16384xi32, #tpu.memory_space<vmem>>, vector<1x512xi32>
      %get3A_100 = vector.shape_cast %get3A_99 : vector<1x512xi32> to vector<512xi32>
      %iota3A = tpu.iota {dimensions = array<i32: 1>} : vector<512x896xi32>
      %broadcast_in_dim3A = vector.shape_cast %get3A_100 : vector<512xi32> to vector<512x1xi32>
      %eq3A = vector.broadcast %broadcast_in_dim3A : vector<512x1xi32> to vector<512x896xi32>
      %eq3A_101 = arith.cmpi eq, %iota3A, %eq3A : vector<512x896xi32>
      %convert_element_type3A_102 = arith.extui %eq3A_101 : vector<512x896xi1> to vector<512x896xi32>
      %convert_element_type3A_103 = arith.sitofp %convert_element_type3A_102 : vector<512x896xi32> to vector<512x896xf32>
      %swap3A = arith.constant 0 : index
      %swap3A_104 = arith.constant 0 : index
      %swap3A_105 = arith.constant 0 : index
      %swap3A_106 = vector.load %arg3[%swap3A, %swap3A_104, %swap3A_105] : memref<8x512x896xf32, #tpu.memory_space<vmem>>, vector<1x512x896xf32>
      %swap3A_107 = vector.shape_cast %swap3A_106 : vector<1x512x896xf32> to vector<512x896xf32>
      %swap3A_108 = vector.shape_cast %convert_element_type3A_103 : vector<512x896xf32> to vector<1x512x896xf32>
      tpu.vector_store %arg3[%swap3A, %swap3A_104, %swap3A_105], %swap3A_108 {strides = array<i32>} : memref<8x512x896xf32, #tpu.memory_space<vmem>>, vector<1x512x896xf32>,
      %mul3A_109 = arith.constant 512 : i32
      %mul3A_110 = arith.muli %add3A_93, %mul3A_109 : i32
      %dma_start3A = arith.constant 0 : i32
      %dma_start3A_111 = arith.constant 0 : i32
      %dma_start3A_112 = tpu.memref_slice %arg4[%dma_start3A_111] : memref<8x!tpu.dma_semaphore, #tpu.memory_space<semaphore_mem>> -> memref<1x!tpu.dma_semaphore, #tpu.memory_space<semaphore_mem>>
      %dma_start3A_113 = tpu.memref_squeeze %dma_start3A_112 : memref<1x!tpu.dma_semaphore, #tpu.memory_space<semaphore_mem>> -> memref<!tpu.dma_semaphore, #tpu.memory_space<semaphore_mem>>
      %dma_start3A_114 = arith.constant 0 : i32
      %dma_start3A_115 = tpu.memref_slice %arg2[%mul3A_110, %dma_start3A_114] : memref<16384x1000xf32, #tpu.memory_space<any>> -> memref<512x896xf32, #tpu.memory_space<any>>
      %dma_start3A_116 = arith.constant 0 : i32
      %dma_start3A_117 = arith.constant 0 : i32
      %dma_start3A_118 = tpu.memref_slice %arg3[%dma_start3A, %dma_start3A_116, %dma_start3A_117] : memref<8x512x896xf32, #tpu.memory_space<vmem>> -> memref<1x512x896xf32, #tpu.memory_space<vmem>>
      %dma_start3A_119 = tpu.memref_squeeze %dma_start3A_118 : memref<1x512x896xf32, #tpu.memory_space<vmem>> -> memref<512x896xf32, #tpu.memory_space<vmem>>
      tpu.enqueue_dma source(%dma_start3A_119 : memref<512x896xf32, #tpu.memory_space<vmem>>) target(%dma_start3A_115 : memref<512x896xf32, #tpu.memory_space<any>>) target_semaphore(%dma_start3A_113 : memref<!tpu.dma_semaphore, #tpu.memory_space<semaphore_mem>>)
      %mul3A_120 = arith.constant 8 : i32
      %mul3A_121 = arith.muli %scan3A_91, %mul3A_120 : i32
      %add3A_122 = arith.constant 1 : i32
      %add3A_123 = arith.addi %mul3A_121, %add3A_122 : i32
      %gt3A_124 = arith.constant 0 : i32
      %gt3A_125 = arith.cmpi sgt, %scan3A_91, %gt3A_124 : i32
      %convert_element_type3A_126 = arith.extui %gt3A_125 : i1 to i32
      %cond3A_127 = arith.constant 0 : i32
      %cond3A_128 = arith.cmpi ne, %convert_element_type3A_126, %cond3A_127 : i32
      scf.if %cond3A_128 {
        %mul3A_393 = arith.constant 512 : i32
        %mul3A_394 = arith.muli %add3A_123, %mul3A_393 : i32
        %dma_wait3A_395 = arith.constant 1 : i32
        %dma_wait3A_396 = arith.constant 1 : i32
        %dma_wait3A_397 = tpu.memref_slice %arg4[%dma_wait3A_396] : memref<8x!tpu.dma_semaphore, #tpu.memory_space<semaphore_mem>> -> memref<1x!tpu.dma_semaphore, #tpu.memory_space<semaphore_mem>>
        %dma_wait3A_398 = tpu.memref_squeeze %dma_wait3A_397 : memref<1x!tpu.dma_semaphore, #tpu.memory_space<semaphore_mem>> -> memref<!tpu.dma_semaphore, #tpu.memory_space<semaphore_mem>>
        %dma_wait3A_399 = arith.constant 0 : i32
        %dma_wait3A_400 = tpu.memref_slice %arg2[%mul3A_394, %dma_wait3A_399] : memref<16384x1000xf32, #tpu.memory_space<any>> -> memref<512x896xf32, #tpu.memory_space<any>>
        %dma_wait3A_401 = arith.constant 0 : i32
        %dma_wait3A_402 = arith.constant 0 : i32
        %dma_wait3A_403 = tpu.memref_slice %arg3[%dma_wait3A_395, %dma_wait3A_401, %dma_wait3A_402] : memref<8x512x896xf32, #tpu.memory_space<vmem>> -> memref<1x512x896xf32, #tpu.memory_space<vmem>>
        %dma_wait3A_404 = tpu.memref_squeeze %dma_wait3A_403 : memref<1x512x896xf32, #tpu.memory_space<vmem>> -> memref<512x896xf32, #tpu.memory_space<vmem>>
        tpu.wait_dma2 semaphore(%dma_wait3A_398 : memref<!tpu.dma_semaphore, #tpu.memory_space<semaphore_mem>>) src(%dma_wait3A_404 : memref<512x896xf32, #tpu.memory_space<vmem>>) dst(%dma_wait3A_400 : memref<512x896xf32, #tpu.memory_space<any>>)
      } else {
      }
      %mul3A_129 = arith.constant 512 : i32
      %mul3A_130 = arith.muli %add3A_123, %mul3A_129 : i32
      %get3A_131 = arith.constant 0 : index
      %get3A_132 = arith.index_cast %mul3A_130 : i32 to index
      %get3A_133 = vector.load %arg0[%get3A_131, %get3A_132] : memref<1x16384xi32, #tpu.memory_space<vmem>>, vector<1x512xi32>
      %get3A_134 = vector.shape_cast %get3A_133 : vector<1x512xi32> to vector<512xi32>
      %iota3A_135 = tpu.iota {dimensions = array<i32: 1>} : vector<512x896xi32>
      %broadcast_in_dim3A_136 = vector.shape_cast %get3A_134 : vector<512xi32> to vector<512x1xi32>
      %eq3A_137 = vector.broadcast %broadcast_in_dim3A_136 : vector<512x1xi32> to vector<512x896xi32>
      %eq3A_138 = arith.cmpi eq, %iota3A_135, %eq3A_137 : vector<512x896xi32>
      %convert_element_type3A_139 = arith.extui %eq3A_138 : vector<512x896xi1> to vector<512x896xi32>
      %convert_element_type3A_140 = arith.sitofp %convert_element_type3A_139 : vector<512x896xi32> to vector<512x896xf32>
      %swap3A_141 = arith.constant 1 : index
      %swap3A_142 = arith.constant 0 : index
      %swap3A_143 = arith.constant 0 : index
      %swap3A_144 = vector.load %arg3[%swap3A_141, %swap3A_142, %swap3A_143] : memref<8x512x896xf32, #tpu.memory_space<vmem>>, vector<1x512x896xf32>
      %swap3A_145 = vector.shape_cast %swap3A_144 : vector<1x512x896xf32> to vector<512x896xf32>
      %swap3A_146 = vector.shape_cast %convert_element_type3A_140 : vector<512x896xf32> to vector<1x512x896xf32>
      tpu.vector_store %arg3[%swap3A_141, %swap3A_142, %swap3A_143], %swap3A_146 {strides = array<i32>} : memref<8x512x896xf32, #tpu.memory_space<vmem>>, vector<1x512x896xf32>,
      %mul3A_147 = arith.constant 512 : i32
      %mul3A_148 = arith.muli %add3A_123, %mul3A_147 : i32
      %dma_start3A_149 = arith.constant 1 : i32
      %dma_start3A_150 = arith.constant 1 : i32
      %dma_start3A_151 = tpu.memref_slice %arg4[%dma_start3A_150] : memref<8x!tpu.dma_semaphore, #tpu.memory_space<semaphore_mem>> -> memref<1x!tpu.dma_semaphore, #tpu.memory_space<semaphore_mem>>
      %dma_start3A_152 = tpu.memref_squeeze %dma_start3A_151 : memref<1x!tpu.dma_semaphore, #tpu.memory_space<semaphore_mem>> -> memref<!tpu.dma_semaphore, #tpu.memory_space<semaphore_mem>>
      %dma_start3A_153 = arith.constant 0 : i32
      %dma_start3A_154 = tpu.memref_slice %arg2[%mul3A_148, %dma_start3A_153] : memref<16384x1000xf32, #tpu.memory_space<any>> -> memref<512x896xf32, #tpu.memory_space<any>>
      %dma_start3A_155 = arith.constant 0 : i32
      %dma_start3A_156 = arith.constant 0 : i32
      %dma_start3A_157 = tpu.memref_slice %arg3[%dma_start3A_149, %dma_start3A_155, %dma_start3A_156] : memref<8x512x896xf32, #tpu.memory_space<vmem>> -> memref<1x512x896xf32, #tpu.memory_space<vmem>>
      %dma_start3A_158 = tpu.memref_squeeze %dma_start3A_157 : memref<1x512x896xf32, #tpu.memory_space<vmem>> -> memref<512x896xf32, #tpu.memory_space<vmem>>
      tpu.enqueue_dma source(%dma_start3A_158 : memref<512x896xf32, #tpu.memory_space<vmem>>) target(%dma_start3A_154 : memref<512x896xf32, #tpu.memory_space<any>>) target_semaphore(%dma_start3A_152 : memref<!tpu.dma_semaphore, #tpu.memory_space<semaphore_mem>>)
      %mul3A_159 = arith.constant 8 : i32
      %mul3A_160 = arith.muli %scan3A_91, %mul3A_159 : i32
      %add3A_161 = arith.constant 2 : i32
      %add3A_162 = arith.addi %mul3A_160, %add3A_161 : i32
      %gt3A_163 = arith.constant 0 : i32
      %gt3A_164 = arith.cmpi sgt, %scan3A_91, %gt3A_163 : i32
      %convert_element_type3A_165 = arith.extui %gt3A_164 : i1 to i32
      %cond3A_166 = arith.constant 0 : i32
      %cond3A_167 = arith.cmpi ne, %convert_element_type3A_165, %cond3A_166 : i32
      scf.if %cond3A_167 {
        %mul3A_393 = arith.constant 512 : i32
        %mul3A_394 = arith.muli %add3A_162, %mul3A_393 : i32
        %dma_wait3A_395 = arith.constant 2 : i32
        %dma_wait3A_396 = arith.constant 2 : i32
        %dma_wait3A_397 = tpu.memref_slice %arg4[%dma_wait3A_396] : memref<8x!tpu.dma_semaphore, #tpu.memory_space<semaphore_mem>> -> memref<1x!tpu.dma_semaphore, #tpu.memory_space<semaphore_mem>>
        %dma_wait3A_398 = tpu.memref_squeeze %dma_wait3A_397 : memref<1x!tpu.dma_semaphore, #tpu.memory_space<semaphore_mem>> -> memref<!tpu.dma_semaphore, #tpu.memory_space<semaphore_mem>>
        %dma_wait3A_399 = arith.constant 0 : i32
        %dma_wait3A_400 = tpu.memref_slice %arg2[%mul3A_394, %dma_wait3A_399] : memref<16384x1000xf32, #tpu.memory_space<any>> -> memref<512x896xf32, #tpu.memory_space<any>>
        %dma_wait3A_401 = arith.constant 0 : i32
        %dma_wait3A_402 = arith.constant 0 : i32
        %dma_wait3A_403 = tpu.memref_slice %arg3[%dma_wait3A_395, %dma_wait3A_401, %dma_wait3A_402] : memref<8x512x896xf32, #tpu.memory_space<vmem>> -> memref<1x512x896xf32, #tpu.memory_space<vmem>>
        %dma_wait3A_404 = tpu.memref_squeeze %dma_wait3A_403 : memref<1x512x896xf32, #tpu.memory_space<vmem>> -> memref<512x896xf32, #tpu.memory_space<vmem>>
        tpu.wait_dma2 semaphore(%dma_wait3A_398 : memref<!tpu.dma_semaphore, #tpu.memory_space<semaphore_mem>>) src(%dma_wait3A_404 : memref<512x896xf32, #tpu.memory_space<vmem>>) dst(%dma_wait3A_400 : memref<512x896xf32, #tpu.memory_space<any>>)
      } else {
      }
      %mul3A_168 = arith.constant 512 : i32
      %mul3A_169 = arith.muli %add3A_162, %mul3A_168 : i32
      %get3A_170 = arith.constant 0 : index
      %get3A_171 = arith.index_cast %mul3A_169 : i32 to index
      %get3A_172 = vector.load %arg0[%get3A_170, %get3A_171] : memref<1x16384xi32, #tpu.memory_space<vmem>>, vector<1x512xi32>
      %get3A_173 = vector.shape_cast %get3A_172 : vector<1x512xi32> to vector<512xi32>
      %iota3A_174 = tpu.iota {dimensions = array<i32: 1>} : vector<512x896xi32>
      %broadcast_in_dim3A_175 = vector.shape_cast %get3A_173 : vector<512xi32> to vector<512x1xi32>
      %eq3A_176 = vector.broadcast %broadcast_in_dim3A_175 : vector<512x1xi32> to vector<512x896xi32>
      %eq3A_177 = arith.cmpi eq, %iota3A_174, %eq3A_176 : vector<512x896xi32>
      %convert_element_type3A_178 = arith.extui %eq3A_177 : vector<512x896xi1> to vector<512x896xi32>
      %convert_element_type3A_179 = arith.sitofp %convert_element_type3A_178 : vector<512x896xi32> to vector<512x896xf32>
      %swap3A_180 = arith.constant 2 : index
      %swap3A_181 = arith.constant 0 : index
      %swap3A_182 = arith.constant 0 : index
      %swap3A_183 = vector.load %arg3[%swap3A_180, %swap3A_181, %swap3A_182] : memref<8x512x896xf32, #tpu.memory_space<vmem>>, vector<1x512x896xf32>
      %swap3A_184 = vector.shape_cast %swap3A_183 : vector<1x512x896xf32> to vector<512x896xf32>
      %swap3A_185 = vector.shape_cast %convert_element_type3A_179 : vector<512x896xf32> to vector<1x512x896xf32>
      tpu.vector_store %arg3[%swap3A_180, %swap3A_181, %swap3A_182], %swap3A_185 {strides = array<i32>} : memref<8x512x896xf32, #tpu.memory_space<vmem>>, vector<1x512x896xf32>,
      %mul3A_186 = arith.constant 512 : i32
      %mul3A_187 = arith.muli %add3A_162, %mul3A_186 : i32
      %dma_start3A_188 = arith.constant 2 : i32
      %dma_start3A_189 = arith.constant 2 : i32
      %dma_start3A_190 = tpu.memref_slice %arg4[%dma_start3A_189] : memref<8x!tpu.dma_semaphore, #tpu.memory_space<semaphore_mem>> -> memref<1x!tpu.dma_semaphore, #tpu.memory_space<semaphore_mem>>
      %dma_start3A_191 = tpu.memref_squeeze %dma_start3A_190 : memref<1x!tpu.dma_semaphore, #tpu.memory_space<semaphore_mem>> -> memref<!tpu.dma_semaphore, #tpu.memory_space<semaphore_mem>>
      %dma_start3A_192 = arith.constant 0 : i32
      %dma_start3A_193 = tpu.memref_slice %arg2[%mul3A_187, %dma_start3A_192] : memref<16384x1000xf32, #tpu.memory_space<any>> -> memref<512x896xf32, #tpu.memory_space<any>>
      %dma_start3A_194 = arith.constant 0 : i32
      %dma_start3A_195 = arith.constant 0 : i32
      %dma_start3A_196 = tpu.memref_slice %arg3[%dma_start3A_188, %dma_start3A_194, %dma_start3A_195] : memref<8x512x896xf32, #tpu.memory_space<vmem>> -> memref<1x512x896xf32, #tpu.memory_space<vmem>>
      %dma_start3A_197 = tpu.memref_squeeze %dma_start3A_196 : memref<1x512x896xf32, #tpu.memory_space<vmem>> -> memref<512x896xf32, #tpu.memory_space<vmem>>
      tpu.enqueue_dma source(%dma_start3A_197 : memref<512x896xf32, #tpu.memory_space<vmem>>) target(%dma_start3A_193 : memref<512x896xf32, #tpu.memory_space<any>>) target_semaphore(%dma_start3A_191 : memref<!tpu.dma_semaphore, #tpu.memory_space<semaphore_mem>>)
      %mul3A_198 = arith.constant 8 : i32
      %mul3A_199 = arith.muli %scan3A_91, %mul3A_198 : i32
      %add3A_200 = arith.constant 3 : i32
      %add3A_201 = arith.addi %mul3A_199, %add3A_200 : i32
      %gt3A_202 = arith.constant 0 : i32
      %gt3A_203 = arith.cmpi sgt, %scan3A_91, %gt3A_202 : i32
      %convert_element_type3A_204 = arith.extui %gt3A_203 : i1 to i32
      %cond3A_205 = arith.constant 0 : i32
      %cond3A_206 = arith.cmpi ne, %convert_element_type3A_204, %cond3A_205 : i32
      scf.if %cond3A_206 {
        %mul3A_393 = arith.constant 512 : i32
        %mul3A_394 = arith.muli %add3A_201, %mul3A_393 : i32
        %dma_wait3A_395 = arith.constant 3 : i32
        %dma_wait3A_396 = arith.constant 3 : i32
        %dma_wait3A_397 = tpu.memref_slice %arg4[%dma_wait3A_396] : memref<8x!tpu.dma_semaphore, #tpu.memory_space<semaphore_mem>> -> memref<1x!tpu.dma_semaphore, #tpu.memory_space<semaphore_mem>>
        %dma_wait3A_398 = tpu.memref_squeeze %dma_wait3A_397 : memref<1x!tpu.dma_semaphore, #tpu.memory_space<semaphore_mem>> -> memref<!tpu.dma_semaphore, #tpu.memory_space<semaphore_mem>>
        %dma_wait3A_399 = arith.constant 0 : i32
        %dma_wait3A_400 = tpu.memref_slice %arg2[%mul3A_394, %dma_wait3A_399] : memref<16384x1000xf32, #tpu.memory_space<any>> -> memref<512x896xf32, #tpu.memory_space<any>>
        %dma_wait3A_401 = arith.constant 0 : i32
        %dma_wait3A_402 = arith.constant 0 : i32
        %dma_wait3A_403 = tpu.memref_slice %arg3[%dma_wait3A_395, %dma_wait3A_401, %dma_wait3A_402] : memref<8x512x896xf32, #tpu.memory_space<vmem>> -> memref<1x512x896xf32, #tpu.memory_space<vmem>>
        %dma_wait3A_404 = tpu.memref_squeeze %dma_wait3A_403 : memref<1x512x896xf32, #tpu.memory_space<vmem>> -> memref<512x896xf32, #tpu.memory_space<vmem>>
        tpu.wait_dma2 semaphore(%dma_wait3A_398 : memref<!tpu.dma_semaphore, #tpu.memory_space<semaphore_mem>>) src(%dma_wait3A_404 : memref<512x896xf32, #tpu.memory_space<vmem>>) dst(%dma_wait3A_400 : memref<512x896xf32, #tpu.memory_space<any>>)
      } else {
      }
      %mul3A_207 = arith.constant 512 : i32
      %mul3A_208 = arith.muli %add3A_201, %mul3A_207 : i32
      %get3A_209 = arith.constant 0 : index
      %get3A_210 = arith.index_cast %mul3A_208 : i32 to index
      %get3A_211 = vector.load %arg0[%get3A_209, %get3A_210] : memref<1x16384xi32, #tpu.memory_space<vmem>>, vector<1x512xi32>
      %get3A_212 = vector.shape_cast %get3A_211 : vector<1x512xi32> to vector<512xi32>
      %iota3A_213 = tpu.iota {dimensions = array<i32: 1>} : vector<512x896xi32>
      %broadcast_in_dim3A_214 = vector.shape_cast %get3A_212 : vector<512xi32> to vector<512x1xi32>
      %eq3A_215 = vector.broadcast %broadcast_in_dim3A_214 : vector<512x1xi32> to vector<512x896xi32>
      %eq3A_216 = arith.cmpi eq, %iota3A_213, %eq3A_215 : vector<512x896xi32>
      %convert_element_type3A_217 = arith.extui %eq3A_216 : vector<512x896xi1> to vector<512x896xi32>
      %convert_element_type3A_218 = arith.sitofp %convert_element_type3A_217 : vector<512x896xi32> to vector<512x896xf32>
      %swap3A_219 = arith.constant 3 : index
      %swap3A_220 = arith.constant 0 : index
      %swap3A_221 = arith.constant 0 : index
      %swap3A_222 = vector.load %arg3[%swap3A_219, %swap3A_220, %swap3A_221] : memref<8x512x896xf32, #tpu.memory_space<vmem>>, vector<1x512x896xf32>
      %swap3A_223 = vector.shape_cast %swap3A_222 : vector<1x512x896xf32> to vector<512x896xf32>
      %swap3A_224 = vector.shape_cast %convert_element_type3A_218 : vector<512x896xf32> to vector<1x512x896xf32>
      tpu.vector_store %arg3[%swap3A_219, %swap3A_220, %swap3A_221], %swap3A_224 {strides = array<i32>} : memref<8x512x896xf32, #tpu.memory_space<vmem>>, vector<1x512x896xf32>,
      %mul3A_225 = arith.constant 512 : i32
      %mul3A_226 = arith.muli %add3A_201, %mul3A_225 : i32
      %dma_start3A_227 = arith.constant 3 : i32
      %dma_start3A_228 = arith.constant 3 : i32
      %dma_start3A_229 = tpu.memref_slice %arg4[%dma_start3A_228] : memref<8x!tpu.dma_semaphore, #tpu.memory_space<semaphore_mem>> -> memref<1x!tpu.dma_semaphore, #tpu.memory_space<semaphore_mem>>
      %dma_start3A_230 = tpu.memref_squeeze %dma_start3A_229 : memref<1x!tpu.dma_semaphore, #tpu.memory_space<semaphore_mem>> -> memref<!tpu.dma_semaphore, #tpu.memory_space<semaphore_mem>>
      %dma_start3A_231 = arith.constant 0 : i32
      %dma_start3A_232 = tpu.memref_slice %arg2[%mul3A_226, %dma_start3A_231] : memref<16384x1000xf32, #tpu.memory_space<any>> -> memref<512x896xf32, #tpu.memory_space<any>>
      %dma_start3A_233 = arith.constant 0 : i32
      %dma_start3A_234 = arith.constant 0 : i32
      %dma_start3A_235 = tpu.memref_slice %arg3[%dma_start3A_227, %dma_start3A_233, %dma_start3A_234] : memref<8x512x896xf32, #tpu.memory_space<vmem>> -> memref<1x512x896xf32, #tpu.memory_space<vmem>>
      %dma_start3A_236 = tpu.memref_squeeze %dma_start3A_235 : memref<1x512x896xf32, #tpu.memory_space<vmem>> -> memref<512x896xf32, #tpu.memory_space<vmem>>
      tpu.enqueue_dma source(%dma_start3A_236 : memref<512x896xf32, #tpu.memory_space<vmem>>) target(%dma_start3A_232 : memref<512x896xf32, #tpu.memory_space<any>>) target_semaphore(%dma_start3A_230 : memref<!tpu.dma_semaphore, #tpu.memory_space<semaphore_mem>>)
      %mul3A_237 = arith.constant 8 : i32
      %mul3A_238 = arith.muli %scan3A_91, %mul3A_237 : i32
      %add3A_239 = arith.constant 4 : i32
      %add3A_240 = arith.addi %mul3A_238, %add3A_239 : i32
      %gt3A_241 = arith.constant 0 : i32
      %gt3A_242 = arith.cmpi sgt, %scan3A_91, %gt3A_241 : i32
      %convert_element_type3A_243 = arith.extui %gt3A_242 : i1 to i32
      %cond3A_244 = arith.constant 0 : i32
      %cond3A_245 = arith.cmpi ne, %convert_element_type3A_243, %cond3A_244 : i32
      scf.if %cond3A_245 {
        %mul3A_393 = arith.constant 512 : i32
        %mul3A_394 = arith.muli %add3A_240, %mul3A_393 : i32
        %dma_wait3A_395 = arith.constant 4 : i32
        %dma_wait3A_396 = arith.constant 4 : i32
        %dma_wait3A_397 = tpu.memref_slice %arg4[%dma_wait3A_396] : memref<8x!tpu.dma_semaphore, #tpu.memory_space<semaphore_mem>> -> memref<1x!tpu.dma_semaphore, #tpu.memory_space<semaphore_mem>>
        %dma_wait3A_398 = tpu.memref_squeeze %dma_wait3A_397 : memref<1x!tpu.dma_semaphore, #tpu.memory_space<semaphore_mem>> -> memref<!tpu.dma_semaphore, #tpu.memory_space<semaphore_mem>>
        %dma_wait3A_399 = arith.constant 0 : i32
        %dma_wait3A_400 = tpu.memref_slice %arg2[%mul3A_394, %dma_wait3A_399] : memref<16384x1000xf32, #tpu.memory_space<any>> -> memref<512x896xf32, #tpu.memory_space<any>>
        %dma_wait3A_401 = arith.constant 0 : i32
        %dma_wait3A_402 = arith.constant 0 : i32
        %dma_wait3A_403 = tpu.memref_slice %arg3[%dma_wait3A_395, %dma_wait3A_401, %dma_wait3A_402] : memref<8x512x896xf32, #tpu.memory_space<vmem>> -> memref<1x512x896xf32, #tpu.memory_space<vmem>>
        %dma_wait3A_404 = tpu.memref_squeeze %dma_wait3A_403 : memref<1x512x896xf32, #tpu.memory_space<vmem>> -> memref<512x896xf32, #tpu.memory_space<vmem>>
        tpu.wait_dma2 semaphore(%dma_wait3A_398 : memref<!tpu.dma_semaphore, #tpu.memory_space<semaphore_mem>>) src(%dma_wait3A_404 : memref<512x896xf32, #tpu.memory_space<vmem>>) dst(%dma_wait3A_400 : memref<512x896xf32, #tpu.memory_space<any>>)
      } else {
      }
      %mul3A_246 = arith.constant 512 : i32
      %mul3A_247 = arith.muli %add3A_240, %mul3A_246 : i32
      %get3A_248 = arith.constant 0 : index
      %get3A_249 = arith.index_cast %mul3A_247 : i32 to index
      %get3A_250 = vector.load %arg0[%get3A_248, %get3A_249] : memref<1x16384xi32, #tpu.memory_space<vmem>>, vector<1x512xi32>
      %get3A_251 = vector.shape_cast %get3A_250 : vector<1x512xi32> to vector<512xi32>
      %iota3A_252 = tpu.iota {dimensions = array<i32: 1>} : vector<512x896xi32>
      %broadcast_in_dim3A_253 = vector.shape_cast %get3A_251 : vector<512xi32> to vector<512x1xi32>
      %eq3A_254 = vector.broadcast %broadcast_in_dim3A_253 : vector<512x1xi32> to vector<512x896xi32>
      %eq3A_255 = arith.cmpi eq, %iota3A_252, %eq3A_254 : vector<512x896xi32>
      %convert_element_type3A_256 = arith.extui %eq3A_255 : vector<512x896xi1> to vector<512x896xi32>
      %convert_element_type3A_257 = arith.sitofp %convert_element_type3A_256 : vector<512x896xi32> to vector<512x896xf32>
      %swap3A_258 = arith.constant 4 : index
      %swap3A_259 = arith.constant 0 : index
      %swap3A_260 = arith.constant 0 : index
      %swap3A_261 = vector.load %arg3[%swap3A_258, %swap3A_259, %swap3A_260] : memref<8x512x896xf32, #tpu.memory_space<vmem>>, vector<1x512x896xf32>
      %swap3A_262 = vector.shape_cast %swap3A_261 : vector<1x512x896xf32> to vector<512x896xf32>
      %swap3A_263 = vector.shape_cast %convert_element_type3A_257 : vector<512x896xf32> to vector<1x512x896xf32>
      tpu.vector_store %arg3[%swap3A_258, %swap3A_259, %swap3A_260], %swap3A_263 {strides = array<i32>} : memref<8x512x896xf32, #tpu.memory_space<vmem>>, vector<1x512x896xf32>,
      %mul3A_264 = arith.constant 512 : i32
      %mul3A_265 = arith.muli %add3A_240, %mul3A_264 : i32
      %dma_start3A_266 = arith.constant 4 : i32
      %dma_start3A_267 = arith.constant 4 : i32
      %dma_start3A_268 = tpu.memref_slice %arg4[%dma_start3A_267] : memref<8x!tpu.dma_semaphore, #tpu.memory_space<semaphore_mem>> -> memref<1x!tpu.dma_semaphore, #tpu.memory_space<semaphore_mem>>
      %dma_start3A_269 = tpu.memref_squeeze %dma_start3A_268 : memref<1x!tpu.dma_semaphore, #tpu.memory_space<semaphore_mem>> -> memref<!tpu.dma_semaphore, #tpu.memory_space<semaphore_mem>>
      %dma_start3A_270 = arith.constant 0 : i32
      %dma_start3A_271 = tpu.memref_slice %arg2[%mul3A_265, %dma_start3A_270] : memref<16384x1000xf32, #tpu.memory_space<any>> -> memref<512x896xf32, #tpu.memory_space<any>>
      %dma_start3A_272 = arith.constant 0 : i32
      %dma_start3A_273 = arith.constant 0 : i32
      %dma_start3A_274 = tpu.memref_slice %arg3[%dma_start3A_266, %dma_start3A_272, %dma_start3A_273] : memref<8x512x896xf32, #tpu.memory_space<vmem>> -> memref<1x512x896xf32, #tpu.memory_space<vmem>>
      %dma_start3A_275 = tpu.memref_squeeze %dma_start3A_274 : memref<1x512x896xf32, #tpu.memory_space<vmem>> -> memref<512x896xf32, #tpu.memory_space<vmem>>
      tpu.enqueue_dma source(%dma_start3A_275 : memref<512x896xf32, #tpu.memory_space<vmem>>) target(%dma_start3A_271 : memref<512x896xf32, #tpu.memory_space<any>>) target_semaphore(%dma_start3A_269 : memref<!tpu.dma_semaphore, #tpu.memory_space<semaphore_mem>>)
      %mul3A_276 = arith.constant 8 : i32
      %mul3A_277 = arith.muli %scan3A_91, %mul3A_276 : i32
      %add3A_278 = arith.constant 5 : i32
      %add3A_279 = arith.addi %mul3A_277, %add3A_278 : i32
      %gt3A_280 = arith.constant 0 : i32
      %gt3A_281 = arith.cmpi sgt, %scan3A_91, %gt3A_280 : i32
      %convert_element_type3A_282 = arith.extui %gt3A_281 : i1 to i32
      %cond3A_283 = arith.constant 0 : i32
      %cond3A_284 = arith.cmpi ne, %convert_element_type3A_282, %cond3A_283 : i32
      scf.if %cond3A_284 {
        %mul3A_393 = arith.constant 512 : i32
        %mul3A_394 = arith.muli %add3A_279, %mul3A_393 : i32
        %dma_wait3A_395 = arith.constant 5 : i32
        %dma_wait3A_396 = arith.constant 5 : i32
        %dma_wait3A_397 = tpu.memref_slice %arg4[%dma_wait3A_396] : memref<8x!tpu.dma_semaphore, #tpu.memory_space<semaphore_mem>> -> memref<1x!tpu.dma_semaphore, #tpu.memory_space<semaphore_mem>>
        %dma_wait3A_398 = tpu.memref_squeeze %dma_wait3A_397 : memref<1x!tpu.dma_semaphore, #tpu.memory_space<semaphore_mem>> -> memref<!tpu.dma_semaphore, #tpu.memory_space<semaphore_mem>>
        %dma_wait3A_399 = arith.constant 0 : i32
        %dma_wait3A_400 = tpu.memref_slice %arg2[%mul3A_394, %dma_wait3A_399] : memref<16384x1000xf32, #tpu.memory_space<any>> -> memref<512x896xf32, #tpu.memory_space<any>>
        %dma_wait3A_401 = arith.constant 0 : i32
        %dma_wait3A_402 = arith.constant 0 : i32
        %dma_wait3A_403 = tpu.memref_slice %arg3[%dma_wait3A_395, %dma_wait3A_401, %dma_wait3A_402] : memref<8x512x896xf32, #tpu.memory_space<vmem>> -> memref<1x512x896xf32, #tpu.memory_space<vmem>>
        %dma_wait3A_404 = tpu.memref_squeeze %dma_wait3A_403 : memref<1x512x896xf32, #tpu.memory_space<vmem>> -> memref<512x896xf32, #tpu.memory_space<vmem>>
        tpu.wait_dma2 semaphore(%dma_wait3A_398 : memref<!tpu.dma_semaphore, #tpu.memory_space<semaphore_mem>>) src(%dma_wait3A_404 : memref<512x896xf32, #tpu.memory_space<vmem>>) dst(%dma_wait3A_400 : memref<512x896xf32, #tpu.memory_space<any>>)
      } else {
      }
      %mul3A_285 = arith.constant 512 : i32
      %mul3A_286 = arith.muli %add3A_279, %mul3A_285 : i32
      %get3A_287 = arith.constant 0 : index
      %get3A_288 = arith.index_cast %mul3A_286 : i32 to index
      %get3A_289 = vector.load %arg0[%get3A_287, %get3A_288] : memref<1x16384xi32, #tpu.memory_space<vmem>>, vector<1x512xi32>
      %get3A_290 = vector.shape_cast %get3A_289 : vector<1x512xi32> to vector<512xi32>
      %iota3A_291 = tpu.iota {dimensions = array<i32: 1>} : vector<512x896xi32>
      %broadcast_in_dim3A_292 = vector.shape_cast %get3A_290 : vector<512xi32> to vector<512x1xi32>
      %eq3A_293 = vector.broadcast %broadcast_in_dim3A_292 : vector<512x1xi32> to vector<512x896xi32>
      %eq3A_294 = arith.cmpi eq, %iota3A_291, %eq3A_293 : vector<512x896xi32>
      %convert_element_type3A_295 = arith.extui %eq3A_294 : vector<512x896xi1> to vector<512x896xi32>
      %convert_element_type3A_296 = arith.sitofp %convert_element_type3A_295 : vector<512x896xi32> to vector<512x896xf32>
      %swap3A_297 = arith.constant 5 : index
      %swap3A_298 = arith.constant 0 : index
      %swap3A_299 = arith.constant 0 : index
      %swap3A_300 = vector.load %arg3[%swap3A_297, %swap3A_298, %swap3A_299] : memref<8x512x896xf32, #tpu.memory_space<vmem>>, vector<1x512x896xf32>
      %swap3A_301 = vector.shape_cast %swap3A_300 : vector<1x512x896xf32> to vector<512x896xf32>
      %swap3A_302 = vector.shape_cast %convert_element_type3A_296 : vector<512x896xf32> to vector<1x512x896xf32>
      tpu.vector_store %arg3[%swap3A_297, %swap3A_298, %swap3A_299], %swap3A_302 {strides = array<i32>} : memref<8x512x896xf32, #tpu.memory_space<vmem>>, vector<1x512x896xf32>,
      %mul3A_303 = arith.constant 512 : i32
      %mul3A_304 = arith.muli %add3A_279, %mul3A_303 : i32
      %dma_start3A_305 = arith.constant 5 : i32
      %dma_start3A_306 = arith.constant 5 : i32
      %dma_start3A_307 = tpu.memref_slice %arg4[%dma_start3A_306] : memref<8x!tpu.dma_semaphore, #tpu.memory_space<semaphore_mem>> -> memref<1x!tpu.dma_semaphore, #tpu.memory_space<semaphore_mem>>
      %dma_start3A_308 = tpu.memref_squeeze %dma_start3A_307 : memref<1x!tpu.dma_semaphore, #tpu.memory_space<semaphore_mem>> -> memref<!tpu.dma_semaphore, #tpu.memory_space<semaphore_mem>>
      %dma_start3A_309 = arith.constant 0 : i32
      %dma_start3A_310 = tpu.memref_slice %arg2[%mul3A_304, %dma_start3A_309] : memref<16384x1000xf32, #tpu.memory_space<any>> -> memref<512x896xf32, #tpu.memory_space<any>>
      %dma_start3A_311 = arith.constant 0 : i32
      %dma_start3A_312 = arith.constant 0 : i32
      %dma_start3A_313 = tpu.memref_slice %arg3[%dma_start3A_305, %dma_start3A_311, %dma_start3A_312] : memref<8x512x896xf32, #tpu.memory_space<vmem>> -> memref<1x512x896xf32, #tpu.memory_space<vmem>>
      %dma_start3A_314 = tpu.memref_squeeze %dma_start3A_313 : memref<1x512x896xf32, #tpu.memory_space<vmem>> -> memref<512x896xf32, #tpu.memory_space<vmem>>
      tpu.enqueue_dma source(%dma_start3A_314 : memref<512x896xf32, #tpu.memory_space<vmem>>) target(%dma_start3A_310 : memref<512x896xf32, #tpu.memory_space<any>>) target_semaphore(%dma_start3A_308 : memref<!tpu.dma_semaphore, #tpu.memory_space<semaphore_mem>>)
      %mul3A_315 = arith.constant 8 : i32
      %mul3A_316 = arith.muli %scan3A_91, %mul3A_315 : i32
      %add3A_317 = arith.constant 6 : i32
      %add3A_318 = arith.addi %mul3A_316, %add3A_317 : i32
      %gt3A_319 = arith.constant 0 : i32
      %gt3A_320 = arith.cmpi sgt, %scan3A_91, %gt3A_319 : i32
      %convert_element_type3A_321 = arith.extui %gt3A_320 : i1 to i32
      %cond3A_322 = arith.constant 0 : i32
      %cond3A_323 = arith.cmpi ne, %convert_element_type3A_321, %cond3A_322 : i32
      scf.if %cond3A_323 {
        %mul3A_393 = arith.constant 512 : i32
        %mul3A_394 = arith.muli %add3A_318, %mul3A_393 : i32
        %dma_wait3A_395 = arith.constant 6 : i32
        %dma_wait3A_396 = arith.constant 6 : i32
        %dma_wait3A_397 = tpu.memref_slice %arg4[%dma_wait3A_396] : memref<8x!tpu.dma_semaphore, #tpu.memory_space<semaphore_mem>> -> memref<1x!tpu.dma_semaphore, #tpu.memory_space<semaphore_mem>>
        %dma_wait3A_398 = tpu.memref_squeeze %dma_wait3A_397 : memref<1x!tpu.dma_semaphore, #tpu.memory_space<semaphore_mem>> -> memref<!tpu.dma_semaphore, #tpu.memory_space<semaphore_mem>>
        %dma_wait3A_399 = arith.constant 0 : i32
        %dma_wait3A_400 = tpu.memref_slice %arg2[%mul3A_394, %dma_wait3A_399] : memref<16384x1000xf32, #tpu.memory_space<any>> -> memref<512x896xf32, #tpu.memory_space<any>>
        %dma_wait3A_401 = arith.constant 0 : i32
        %dma_wait3A_402 = arith.constant 0 : i32
        %dma_wait3A_403 = tpu.memref_slice %arg3[%dma_wait3A_395, %dma_wait3A_401, %dma_wait3A_402] : memref<8x512x896xf32, #tpu.memory_space<vmem>> -> memref<1x512x896xf32, #tpu.memory_space<vmem>>
        %dma_wait3A_404 = tpu.memref_squeeze %dma_wait3A_403 : memref<1x512x896xf32, #tpu.memory_space<vmem>> -> memref<512x896xf32, #tpu.memory_space<vmem>>
        tpu.wait_dma2 semaphore(%dma_wait3A_398 : memref<!tpu.dma_semaphore, #tpu.memory_space<semaphore_mem>>) src(%dma_wait3A_404 : memref<512x896xf32, #tpu.memory_space<vmem>>) dst(%dma_wait3A_400 : memref<512x896xf32, #tpu.memory_space<any>>)
      } else {
      }
      %mul3A_324 = arith.constant 512 : i32
      %mul3A_325 = arith.muli %add3A_318, %mul3A_324 : i32
      %get3A_326 = arith.constant 0 : index
      %get3A_327 = arith.index_cast %mul3A_325 : i32 to index
      %get3A_328 = vector.load %arg0[%get3A_326, %get3A_327] : memref<1x16384xi32, #tpu.memory_space<vmem>>, vector<1x512xi32>
      %get3A_329 = vector.shape_cast %get3A_328 : vector<1x512xi32> to vector<512xi32>
      %iota3A_330 = tpu.iota {dimensions = array<i32: 1>} : vector<512x896xi32>
      %broadcast_in_dim3A_331 = vector.shape_cast %get3A_329 : vector<512xi32> to vector<512x1xi32>
      %eq3A_332 = vector.broadcast %broadcast_in_dim3A_331 : vector<512x1xi32> to vector<512x896xi32>
      %eq3A_333 = arith.cmpi eq, %iota3A_330, %eq3A_332 : vector<512x896xi32>
      %convert_element_type3A_334 = arith.extui %eq3A_333 : vector<512x896xi1> to vector<512x896xi32>
      %convert_element_type3A_335 = arith.sitofp %convert_element_type3A_334 : vector<512x896xi32> to vector<512x896xf32>
      %swap3A_336 = arith.constant 6 : index
      %swap3A_337 = arith.constant 0 : index
      %swap3A_338 = arith.constant 0 : index
      %swap3A_339 = vector.load %arg3[%swap3A_336, %swap3A_337, %swap3A_338] : memref<8x512x896xf32, #tpu.memory_space<vmem>>, vector<1x512x896xf32>
      %swap3A_340 = vector.shape_cast %swap3A_339 : vector<1x512x896xf32> to vector<512x896xf32>
      %swap3A_341 = vector.shape_cast %convert_element_type3A_335 : vector<512x896xf32> to vector<1x512x896xf32>
      tpu.vector_store %arg3[%swap3A_336, %swap3A_337, %swap3A_338], %swap3A_341 {strides = array<i32>} : memref<8x512x896xf32, #tpu.memory_space<vmem>>, vector<1x512x896xf32>,
      %mul3A_342 = arith.constant 512 : i32
      %mul3A_343 = arith.muli %add3A_318, %mul3A_342 : i32
      %dma_start3A_344 = arith.constant 6 : i32
      %dma_start3A_345 = arith.constant 6 : i32
      %dma_start3A_346 = tpu.memref_slice %arg4[%dma_start3A_345] : memref<8x!tpu.dma_semaphore, #tpu.memory_space<semaphore_mem>> -> memref<1x!tpu.dma_semaphore, #tpu.memory_space<semaphore_mem>>
      %dma_start3A_347 = tpu.memref_squeeze %dma_start3A_346 : memref<1x!tpu.dma_semaphore, #tpu.memory_space<semaphore_mem>> -> memref<!tpu.dma_semaphore, #tpu.memory_space<semaphore_mem>>
      %dma_start3A_348 = arith.constant 0 : i32
      %dma_start3A_349 = tpu.memref_slice %arg2[%mul3A_343, %dma_start3A_348] : memref<16384x1000xf32, #tpu.memory_space<any>> -> memref<512x896xf32, #tpu.memory_space<any>>
      %dma_start3A_350 = arith.constant 0 : i32
      %dma_start3A_351 = arith.constant 0 : i32
      %dma_start3A_352 = tpu.memref_slice %arg3[%dma_start3A_344, %dma_start3A_350, %dma_start3A_351] : memref<8x512x896xf32, #tpu.memory_space<vmem>> -> memref<1x512x896xf32, #tpu.memory_space<vmem>>
      %dma_start3A_353 = tpu.memref_squeeze %dma_start3A_352 : memref<1x512x896xf32, #tpu.memory_space<vmem>> -> memref<512x896xf32, #tpu.memory_space<vmem>>
      tpu.enqueue_dma source(%dma_start3A_353 : memref<512x896xf32, #tpu.memory_space<vmem>>) target(%dma_start3A_349 : memref<512x896xf32, #tpu.memory_space<any>>) target_semaphore(%dma_start3A_347 : memref<!tpu.dma_semaphore, #tpu.memory_space<semaphore_mem>>)
      %mul3A_354 = arith.constant 8 : i32
      %mul3A_355 = arith.muli %scan3A_91, %mul3A_354 : i32
      %add3A_356 = arith.constant 7 : i32
      %add3A_357 = arith.addi %mul3A_355, %add3A_356 : i32
      %gt3A_358 = arith.constant 0 : i32
      %gt3A_359 = arith.cmpi sgt, %scan3A_91, %gt3A_358 : i32
      %convert_element_type3A_360 = arith.extui %gt3A_359 : i1 to i32
      %cond3A_361 = arith.constant 0 : i32
      %cond3A_362 = arith.cmpi ne, %convert_element_type3A_360, %cond3A_361 : i32
      scf.if %cond3A_362 {
        %mul3A_393 = arith.constant 512 : i32
        %mul3A_394 = arith.muli %add3A_357, %mul3A_393 : i32
        %dma_wait3A_395 = arith.constant 7 : i32
        %dma_wait3A_396 = arith.constant 7 : i32
        %dma_wait3A_397 = tpu.memref_slice %arg4[%dma_wait3A_396] : memref<8x!tpu.dma_semaphore, #tpu.memory_space<semaphore_mem>> -> memref<1x!tpu.dma_semaphore, #tpu.memory_space<semaphore_mem>>
        %dma_wait3A_398 = tpu.memref_squeeze %dma_wait3A_397 : memref<1x!tpu.dma_semaphore, #tpu.memory_space<semaphore_mem>> -> memref<!tpu.dma_semaphore, #tpu.memory_space<semaphore_mem>>
        %dma_wait3A_399 = arith.constant 0 : i32
        %dma_wait3A_400 = tpu.memref_slice %arg2[%mul3A_394, %dma_wait3A_399] : memref<16384x1000xf32, #tpu.memory_space<any>> -> memref<512x896xf32, #tpu.memory_space<any>>
        %dma_wait3A_401 = arith.constant 0 : i32
        %dma_wait3A_402 = arith.constant 0 : i32
        %dma_wait3A_403 = tpu.memref_slice %arg3[%dma_wait3A_395, %dma_wait3A_401, %dma_wait3A_402] : memref<8x512x896xf32, #tpu.memory_space<vmem>> -> memref<1x512x896xf32, #tpu.memory_space<vmem>>
        %dma_wait3A_404 = tpu.memref_squeeze %dma_wait3A_403 : memref<1x512x896xf32, #tpu.memory_space<vmem>> -> memref<512x896xf32, #tpu.memory_space<vmem>>
        tpu.wait_dma2 semaphore(%dma_wait3A_398 : memref<!tpu.dma_semaphore, #tpu.memory_space<semaphore_mem>>) src(%dma_wait3A_404 : memref<512x896xf32, #tpu.memory_space<vmem>>) dst(%dma_wait3A_400 : memref<512x896xf32, #tpu.memory_space<any>>)
      } else {
      }
      %mul3A_363 = arith.constant 512 : i32
      %mul3A_364 = arith.muli %add3A_357, %mul3A_363 : i32
      %get3A_365 = arith.constant 0 : index
      %get3A_366 = arith.index_cast %mul3A_364 : i32 to index
      %get3A_367 = vector.load %arg0[%get3A_365, %get3A_366] : memref<1x16384xi32, #tpu.memory_space<vmem>>, vector<1x512xi32>
      %get3A_368 = vector.shape_cast %get3A_367 : vector<1x512xi32> to vector<512xi32>
      %iota3A_369 = tpu.iota {dimensions = array<i32: 1>} : vector<512x896xi32>
      %broadcast_in_dim3A_370 = vector.shape_cast %get3A_368 : vector<512xi32> to vector<512x1xi32>
      %eq3A_371 = vector.broadcast %broadcast_in_dim3A_370 : vector<512x1xi32> to vector<512x896xi32>
      %eq3A_372 = arith.cmpi eq, %iota3A_369, %eq3A_371 : vector<512x896xi32>
      %convert_element_type3A_373 = arith.extui %eq3A_372 : vector<512x896xi1> to vector<512x896xi32>
      %convert_element_type3A_374 = arith.sitofp %convert_element_type3A_373 : vector<512x896xi32> to vector<512x896xf32>
      %swap3A_375 = arith.constant 7 : index
      %swap3A_376 = arith.constant 0 : index
      %swap3A_377 = arith.constant 0 : index
      %swap3A_378 = vector.load %arg3[%swap3A_375, %swap3A_376, %swap3A_377] : memref<8x512x896xf32, #tpu.memory_space<vmem>>, vector<1x512x896xf32>
      %swap3A_379 = vector.shape_cast %swap3A_378 : vector<1x512x896xf32> to vector<512x896xf32>
      %swap3A_380 = vector.shape_cast %convert_element_type3A_374 : vector<512x896xf32> to vector<1x512x896xf32>
      tpu.vector_store %arg3[%swap3A_375, %swap3A_376, %swap3A_377], %swap3A_380 {strides = array<i32>} : memref<8x512x896xf32, #tpu.memory_space<vmem>>, vector<1x512x896xf32>,
      %mul3A_381 = arith.constant 512 : i32
      %mul3A_382 = arith.muli %add3A_357, %mul3A_381 : i32
      %dma_start3A_383 = arith.constant 7 : i32
      %dma_start3A_384 = arith.constant 7 : i32
      %dma_start3A_385 = tpu.memref_slice %arg4[%dma_start3A_384] : memref<8x!tpu.dma_semaphore, #tpu.memory_space<semaphore_mem>> -> memref<1x!tpu.dma_semaphore, #tpu.memory_space<semaphore_mem>>
      %dma_start3A_386 = tpu.memref_squeeze %dma_start3A_385 : memref<1x!tpu.dma_semaphore, #tpu.memory_space<semaphore_mem>> -> memref<!tpu.dma_semaphore, #tpu.memory_space<semaphore_mem>>
      %dma_start3A_387 = arith.constant 0 : i32
      %dma_start3A_388 = tpu.memref_slice %arg2[%mul3A_382, %dma_start3A_387] : memref<16384x1000xf32, #tpu.memory_space<any>> -> memref<512x896xf32, #tpu.memory_space<any>>
      %dma_start3A_389 = arith.constant 0 : i32
      %dma_start3A_390 = arith.constant 0 : i32
      %dma_start3A_391 = tpu.memref_slice %arg3[%dma_start3A_383, %dma_start3A_389, %dma_start3A_390] : memref<8x512x896xf32, #tpu.memory_space<vmem>> -> memref<1x512x896xf32, #tpu.memory_space<vmem>>
      %dma_start3A_392 = tpu.memref_squeeze %dma_start3A_391 : memref<1x512x896xf32, #tpu.memory_space<vmem>> -> memref<512x896xf32, #tpu.memory_space<vmem>>
      tpu.enqueue_dma source(%dma_start3A_392 : memref<512x896xf32, #tpu.memory_space<vmem>>) target(%dma_start3A_388 : memref<512x896xf32, #tpu.memory_space<any>>) target_semaphore(%dma_start3A_386 : memref<!tpu.dma_semaphore, #tpu.memory_space<semaphore_mem>>)
    }
    %scan3A_3 = arith.constant 4 : i32
    %dma_wait3A = arith.constant 0 : i32
    %dma_wait3A_4 = arith.constant 0 : i32
    %dma_wait3A_5 = tpu.memref_slice %arg4[%dma_wait3A_4] : memref<8x!tpu.dma_semaphore, #tpu.memory_space<semaphore_mem>> -> memref<1x!tpu.dma_semaphore, #tpu.memory_space<semaphore_mem>>
    %dma_wait3A_6 = tpu.memref_squeeze %dma_wait3A_5 : memref<1x!tpu.dma_semaphore, #tpu.memory_space<semaphore_mem>> -> memref<!tpu.dma_semaphore, #tpu.memory_space<semaphore_mem>>
    %dma_wait3A_7 = arith.constant 12288 : i32
    %dma_wait3A_8 = arith.constant 0 : i32
    %dma_wait3A_9 = tpu.memref_slice %arg2[%dma_wait3A_7, %dma_wait3A_8] : memref<16384x1000xf32, #tpu.memory_space<any>> -> memref<512x896xf32, #tpu.memory_space<any>>
    %dma_wait3A_10 = arith.constant 0 : i32
    %dma_wait3A_11 = arith.constant 0 : i32
    %dma_wait3A_12 = tpu.memref_slice %arg3[%dma_wait3A, %dma_wait3A_10, %dma_wait3A_11] : memref<8x512x896xf32, #tpu.memory_space<vmem>> -> memref<1x512x896xf32, #tpu.memory_space<vmem>>
    %dma_wait3A_13 = tpu.memref_squeeze %dma_wait3A_12 : memref<1x512x896xf32, #tpu.memory_space<vmem>> -> memref<512x896xf32, #tpu.memory_space<vmem>>
    tpu.wait_dma2 semaphore(%dma_wait3A_6 : memref<!tpu.dma_semaphore, #tpu.memory_space<semaphore_mem>>) src(%dma_wait3A_13 : memref<512x896xf32, #tpu.memory_space<vmem>>) dst(%dma_wait3A_9 : memref<512x896xf32, #tpu.memory_space<any>>)
    %dma_wait3A_14 = arith.constant 1 : i32
    %dma_wait3A_15 = arith.constant 1 : i32
    %dma_wait3A_16 = tpu.memref_slice %arg4[%dma_wait3A_15] : memref<8x!tpu.dma_semaphore, #tpu.memory_space<semaphore_mem>> -> memref<1x!tpu.dma_semaphore, #tpu.memory_space<semaphore_mem>>
    %dma_wait3A_17 = tpu.memref_squeeze %dma_wait3A_16 : memref<1x!tpu.dma_semaphore, #tpu.memory_space<semaphore_mem>> -> memref<!tpu.dma_semaphore, #tpu.memory_space<semaphore_mem>>
    %dma_wait3A_18 = arith.constant 12800 : i32
    %dma_wait3A_19 = arith.constant 0 : i32
    %dma_wait3A_20 = tpu.memref_slice %arg2[%dma_wait3A_18, %dma_wait3A_19] : memref<16384x1000xf32, #tpu.memory_space<any>> -> memref<512x896xf32, #tpu.memory_space<any>>
    %dma_wait3A_21 = arith.constant 0 : i32
    %dma_wait3A_22 = arith.constant 0 : i32
    %dma_wait3A_23 = tpu.memref_slice %arg3[%dma_wait3A_14, %dma_wait3A_21, %dma_wait3A_22] : memref<8x512x896xf32, #tpu.memory_space<vmem>> -> memref<1x512x896xf32, #tpu.memory_space<vmem>>
    %dma_wait3A_24 = tpu.memref_squeeze %dma_wait3A_23 : memref<1x512x896xf32, #tpu.memory_space<vmem>> -> memref<512x896xf32, #tpu.memory_space<vmem>>
    tpu.wait_dma2 semaphore(%dma_wait3A_17 : memref<!tpu.dma_semaphore, #tpu.memory_space<semaphore_mem>>) src(%dma_wait3A_24 : memref<512x896xf32, #tpu.memory_space<vmem>>) dst(%dma_wait3A_20 : memref<512x896xf32, #tpu.memory_space<any>>)
    %dma_wait3A_25 = arith.constant 2 : i32
    %dma_wait3A_26 = arith.constant 2 : i32
    %dma_wait3A_27 = tpu.memref_slice %arg4[%dma_wait3A_26] : memref<8x!tpu.dma_semaphore, #tpu.memory_space<semaphore_mem>> -> memref<1x!tpu.dma_semaphore, #tpu.memory_space<semaphore_mem>>
    %dma_wait3A_28 = tpu.memref_squeeze %dma_wait3A_27 : memref<1x!tpu.dma_semaphore, #tpu.memory_space<semaphore_mem>> -> memref<!tpu.dma_semaphore, #tpu.memory_space<semaphore_mem>>
    %dma_wait3A_29 = arith.constant 13312 : i32
    %dma_wait3A_30 = arith.constant 0 : i32
    %dma_wait3A_31 = tpu.memref_slice %arg2[%dma_wait3A_29, %dma_wait3A_30] : memref<16384x1000xf32, #tpu.memory_space<any>> -> memref<512x896xf32, #tpu.memory_space<any>>
    %dma_wait3A_32 = arith.constant 0 : i32
    %dma_wait3A_33 = arith.constant 0 : i32
    %dma_wait3A_34 = tpu.memref_slice %arg3[%dma_wait3A_25, %dma_wait3A_32, %dma_wait3A_33] : memref<8x512x896xf32, #tpu.memory_space<vmem>> -> memref<1x512x896xf32, #tpu.memory_space<vmem>>
    %dma_wait3A_35 = tpu.memref_squeeze %dma_wait3A_34 : memref<1x512x896xf32, #tpu.memory_space<vmem>> -> memref<512x896xf32, #tpu.memory_space<vmem>>
    tpu.wait_dma2 semaphore(%dma_wait3A_28 : memref<!tpu.dma_semaphore, #tpu.memory_space<semaphore_mem>>) src(%dma_wait3A_35 : memref<512x896xf32, #tpu.memory_space<vmem>>) dst(%dma_wait3A_31 : memref<512x896xf32, #tpu.memory_space<any>>)
    %dma_wait3A_36 = arith.constant 3 : i32
    %dma_wait3A_37 = arith.constant 3 : i32
    %dma_wait3A_38 = tpu.memref_slice %arg4[%dma_wait3A_37] : memref<8x!tpu.dma_semaphore, #tpu.memory_space<semaphore_mem>> -> memref<1x!tpu.dma_semaphore, #tpu.memory_space<semaphore_mem>>
    %dma_wait3A_39 = tpu.memref_squeeze %dma_wait3A_38 : memref<1x!tpu.dma_semaphore, #tpu.memory_space<semaphore_mem>> -> memref<!tpu.dma_semaphore, #tpu.memory_space<semaphore_mem>>
    %dma_wait3A_40 = arith.constant 13824 : i32
    %dma_wait3A_41 = arith.constant 0 : i32
    %dma_wait3A_42 = tpu.memref_slice %arg2[%dma_wait3A_40, %dma_wait3A_41] : memref<16384x1000xf32, #tpu.memory_space<any>> -> memref<512x896xf32, #tpu.memory_space<any>>
    %dma_wait3A_43 = arith.constant 0 : i32
    %dma_wait3A_44 = arith.constant 0 : i32
    %dma_wait3A_45 = tpu.memref_slice %arg3[%dma_wait3A_36, %dma_wait3A_43, %dma_wait3A_44] : memref<8x512x896xf32, #tpu.memory_space<vmem>> -> memref<1x512x896xf32, #tpu.memory_space<vmem>>
    %dma_wait3A_46 = tpu.memref_squeeze %dma_wait3A_45 : memref<1x512x896xf32, #tpu.memory_space<vmem>> -> memref<512x896xf32, #tpu.memory_space<vmem>>
    tpu.wait_dma2 semaphore(%dma_wait3A_39 : memref<!tpu.dma_semaphore, #tpu.memory_space<semaphore_mem>>) src(%dma_wait3A_46 : memref<512x896xf32, #tpu.memory_space<vmem>>) dst(%dma_wait3A_42 : memref<512x896xf32, #tpu.memory_space<any>>)
    %dma_wait3A_47 = arith.constant 4 : i32
    %dma_wait3A_48 = arith.constant 4 : i32
    %dma_wait3A_49 = tpu.memref_slice %arg4[%dma_wait3A_48] : memref<8x!tpu.dma_semaphore, #tpu.memory_space<semaphore_mem>> -> memref<1x!tpu.dma_semaphore, #tpu.memory_space<semaphore_mem>>
    %dma_wait3A_50 = tpu.memref_squeeze %dma_wait3A_49 : memref<1x!tpu.dma_semaphore, #tpu.memory_space<semaphore_mem>> -> memref<!tpu.dma_semaphore, #tpu.memory_space<semaphore_mem>>
    %dma_wait3A_51 = arith.constant 14336 : i32
    %dma_wait3A_52 = arith.constant 0 : i32
    %dma_wait3A_53 = tpu.memref_slice %arg2[%dma_wait3A_51, %dma_wait3A_52] : memref<16384x1000xf32, #tpu.memory_space<any>> -> memref<512x896xf32, #tpu.memory_space<any>>
    %dma_wait3A_54 = arith.constant 0 : i32
    %dma_wait3A_55 = arith.constant 0 : i32
    %dma_wait3A_56 = tpu.memref_slice %arg3[%dma_wait3A_47, %dma_wait3A_54, %dma_wait3A_55] : memref<8x512x896xf32, #tpu.memory_space<vmem>> -> memref<1x512x896xf32, #tpu.memory_space<vmem>>
    %dma_wait3A_57 = tpu.memref_squeeze %dma_wait3A_56 : memref<1x512x896xf32, #tpu.memory_space<vmem>> -> memref<512x896xf32, #tpu.memory_space<vmem>>
    tpu.wait_dma2 semaphore(%dma_wait3A_50 : memref<!tpu.dma_semaphore, #tpu.memory_space<semaphore_mem>>) src(%dma_wait3A_57 : memref<512x896xf32, #tpu.memory_space<vmem>>) dst(%dma_wait3A_53 : memref<512x896xf32, #tpu.memory_space<any>>)
    %dma_wait3A_58 = arith.constant 5 : i32
    %dma_wait3A_59 = arith.constant 5 : i32
    %dma_wait3A_60 = tpu.memref_slice %arg4[%dma_wait3A_59] : memref<8x!tpu.dma_semaphore, #tpu.memory_space<semaphore_mem>> -> memref<1x!tpu.dma_semaphore, #tpu.memory_space<semaphore_mem>>
    %dma_wait3A_61 = tpu.memref_squeeze %dma_wait3A_60 : memref<1x!tpu.dma_semaphore, #tpu.memory_space<semaphore_mem>> -> memref<!tpu.dma_semaphore, #tpu.memory_space<semaphore_mem>>
    %dma_wait3A_62 = arith.constant 14848 : i32
    %dma_wait3A_63 = arith.constant 0 : i32
    %dma_wait3A_64 = tpu.memref_slice %arg2[%dma_wait3A_62, %dma_wait3A_63] : memref<16384x1000xf32, #tpu.memory_space<any>> -> memref<512x896xf32, #tpu.memory_space<any>>
    %dma_wait3A_65 = arith.constant 0 : i32
    %dma_wait3A_66 = arith.constant 0 : i32
    %dma_wait3A_67 = tpu.memref_slice %arg3[%dma_wait3A_58, %dma_wait3A_65, %dma_wait3A_66] : memref<8x512x896xf32, #tpu.memory_space<vmem>> -> memref<1x512x896xf32, #tpu.memory_space<vmem>>
    %dma_wait3A_68 = tpu.memref_squeeze %dma_wait3A_67 : memref<1x512x896xf32, #tpu.memory_space<vmem>> -> memref<512x896xf32, #tpu.memory_space<vmem>>
    tpu.wait_dma2 semaphore(%dma_wait3A_61 : memref<!tpu.dma_semaphore, #tpu.memory_space<semaphore_mem>>) src(%dma_wait3A_68 : memref<512x896xf32, #tpu.memory_space<vmem>>) dst(%dma_wait3A_64 : memref<512x896xf32, #tpu.memory_space<any>>)
    %dma_wait3A_69 = arith.constant 6 : i32
    %dma_wait3A_70 = arith.constant 6 : i32
    %dma_wait3A_71 = tpu.memref_slice %arg4[%dma_wait3A_70] : memref<8x!tpu.dma_semaphore, #tpu.memory_space<semaphore_mem>> -> memref<1x!tpu.dma_semaphore, #tpu.memory_space<semaphore_mem>>
    %dma_wait3A_72 = tpu.memref_squeeze %dma_wait3A_71 : memref<1x!tpu.dma_semaphore, #tpu.memory_space<semaphore_mem>> -> memref<!tpu.dma_semaphore, #tpu.memory_space<semaphore_mem>>
    %dma_wait3A_73 = arith.constant 15360 : i32
    %dma_wait3A_74 = arith.constant 0 : i32
    %dma_wait3A_75 = tpu.memref_slice %arg2[%dma_wait3A_73, %dma_wait3A_74] : memref<16384x1000xf32, #tpu.memory_space<any>> -> memref<512x896xf32, #tpu.memory_space<any>>
    %dma_wait3A_76 = arith.constant 0 : i32
    %dma_wait3A_77 = arith.constant 0 : i32
    %dma_wait3A_78 = tpu.memref_slice %arg3[%dma_wait3A_69, %dma_wait3A_76, %dma_wait3A_77] : memref<8x512x896xf32, #tpu.memory_space<vmem>> -> memref<1x512x896xf32, #tpu.memory_space<vmem>>
    %dma_wait3A_79 = tpu.memref_squeeze %dma_wait3A_78 : memref<1x512x896xf32, #tpu.memory_space<vmem>> -> memref<512x896xf32, #tpu.memory_space<vmem>>
    tpu.wait_dma2 semaphore(%dma_wait3A_72 : memref<!tpu.dma_semaphore, #tpu.memory_space<semaphore_mem>>) src(%dma_wait3A_79 : memref<512x896xf32, #tpu.memory_space<vmem>>) dst(%dma_wait3A_75 : memref<512x896xf32, #tpu.memory_space<any>>)
    %dma_wait3A_80 = arith.constant 7 : i32
    %dma_wait3A_81 = arith.constant 7 : i32
    %dma_wait3A_82 = tpu.memref_slice %arg4[%dma_wait3A_81] : memref<8x!tpu.dma_semaphore, #tpu.memory_space<semaphore_mem>> -> memref<1x!tpu.dma_semaphore, #tpu.memory_space<semaphore_mem>>
    %dma_wait3A_83 = tpu.memref_squeeze %dma_wait3A_82 : memref<1x!tpu.dma_semaphore, #tpu.memory_space<semaphore_mem>> -> memref<!tpu.dma_semaphore, #tpu.memory_space<semaphore_mem>>
    %dma_wait3A_84 = arith.constant 15872 : i32
    %dma_wait3A_85 = arith.constant 0 : i32
    %dma_wait3A_86 = tpu.memref_slice %arg2[%dma_wait3A_84, %dma_wait3A_85] : memref<16384x1000xf32, #tpu.memory_space<any>> -> memref<512x896xf32, #tpu.memory_space<any>>
    %dma_wait3A_87 = arith.constant 0 : i32
    %dma_wait3A_88 = arith.constant 0 : i32
    %dma_wait3A_89 = tpu.memref_slice %arg3[%dma_wait3A_80, %dma_wait3A_87, %dma_wait3A_88] : memref<8x512x896xf32, #tpu.memory_space<vmem>> -> memref<1x512x896xf32, #tpu.memory_space<vmem>>
    %dma_wait3A_90 = tpu.memref_squeeze %dma_wait3A_89 : memref<1x512x896xf32, #tpu.memory_space<vmem>> -> memref<512x896xf32, #tpu.memory_space<vmem>>
    tpu.wait_dma2 semaphore(%dma_wait3A_83 : memref<!tpu.dma_semaphore, #tpu.memory_space<semaphore_mem>>) src(%dma_wait3A_90 : memref<512x896xf32, #tpu.memory_space<vmem>>) dst(%dma_wait3A_86 : memref<512x896xf32, #tpu.memory_space<any>>)
    return
  }
}

</mosaic_0001>

<sc_bundles>
// kernel: kernel.4.cloned.1.call-start
scs
__scs_entry_jumppad:
0x0: {  	(pc) =	sbr.rel $0x88, $3  }
0x1: {  	(tag) =	ssettag $0x0;
	lr =	simm.s32 $0x1  }
0x2: {  	[smem:$0x3FA0] =	sst lr;
	_ =	strace $0xD0000000  }
0x3: {  	_ = 	snop  }
0x4: {  	_ = 	snop  }
0x5: {  	_ = 	snop  }
0x6: {  	_ = 	snop  }
0x7: {  	_ = 	snop  }
__scs_overlays_trampoline_lowered:
0x8: {  	[smem:$0x3FAF] =	sst s0  }
0x9: {  	[smem:$0x3FB0] =	sst s1  }
0xa: {  	[smem:$0x3FB1] =	sst s2  }
0xb: {  	[smem:$0x3FB2] =	sst s3  }
0xc: {  	[smem:$0x3FB3] =	sst s4  }
0xd: {  	[smem:$0x3FB4] =	sst s5  }
0xe: {  	[smem:$0x3FB5] =	sst s6  }
0xf: {  	[smem:$0x3FB6] =	sst s7  }
0x10: {  	[smem:$0x3FB7] =	sst s8  }
0x11: {  	[smem:$0x3FB8] =	sst s9;
	s0 =	simm.s32 @!p0 $0x0  }
0x12: {  	s1 =	sld [smem:$0x3F9E];
	s0 =	simm.s32 @p0 $0x1  }
0x13: {  	[smem:$0x3FB9] =	sst s0;
	s0 =	simm.s32 @!p1 $0x0  }
0x14: {  	s2 =	sld [smem:$0x3F9D];
	s0 =	simm.s32 @p1 $0x1  }
0x15: {  	[smem:$0x3FBA] =	sst s0;
	s0 =	simm.s32 @!p2 $0x0  }
0x16: {  	s3 =	sld [smem:$0x3FDB];
	s0 =	simm.s32 @p2 $0x1  }
0x17: {  	s4 =	simm.s32 $0x1BF5;
	[smem:$0x3FBC] =	sst s0  }
0x18: {  	s0 =	sld [smem:$0x3F9F];
	_ =	swait.ge [sflag:s4], $0x0  }
0x19: {  	s7 =	sld [smem:$0x3FA0]  }
0x1a: {  	s8 =	sadd.s32 $0xFFFFE003, lr  }
0x1b: {  	s9 =	sadd.s32 $0xFFFFFEF7, lr;
	s5 =	simm.s32 $0xFFFFFFFF;
	p2 =	slt.u32 s8, $0xFFFFF086  }
0x1c: {  	p1 =	slt.u32 s9, $0xF7A;
	s5 =	simm.s32 @!p2 $0x0  }
0x1d: {  	s5 =	simm.s32 @p1 $0x1;
	p0 =	seq.s32 s7, s2  }
0x1e: {  	s7 =	smul.u32 @!p0 $0xF7A, s2;
	p2 =	seq.s32 @!p0 s5, $0x0  }
0x1f: {  	s9 =	smul.u32 $0xF7A, s1;
	s8 =	simm.s32 @!p0 $0x1BF5;
	p2 =	por !p2, p0  }
0x20: {  	[sflag:s8] =	ssyncset.s32 @!p0 $0xFFFFF086;
	s6 =	sadd.s32 @!p0 s3, s7;
	s7 =	simm.s32 @!p0 $0x108  }
0x21: {  	s3 =	sadd.s32 s3, s9;
	s6 =	sadd.s32 @!p0 $0x88, s6;
	s7 =	simm.s32 @p2 $0x1082  }
0x22: {  	[simem:s7], [sflag:s8] =	dma.local @!p0 [hbm:s6], $0xF7A  }
0x23: {  	s9 =	sor.u32 $0xD0000000, s2;
	s6 =	simm.s32 $0x108;
	_ =	swait.ge @!p0 [sflag:s8], $0x0  }
0x24: {  	s3 =	sadd.s32 $0x88, s3;
	s6 =	simm.s32 @!p1 $0x1082;
	[sflag:s4] =	ssyncset.s32 $0xFFFFF086  }
0x25: {  	[simem:s6], [sflag:s4] =	dma.local [hbm:s3], $0xF7A  }
0x26: {  	[smem:$0x3FA0] =	sst s1;
	(tag) =	ssettag s2;
	_ =	strace s9  }
0x27: {  	s1 =	sld [smem:$0x3FB0]  }
0x28: {  	s2 =	sld [smem:$0x3FB1]  }
0x29: {  	s4 =	sld [smem:$0x3FB3]  }
0x2a: {  	p0 =	seq.s32 s5, $0x0;
	s5 =	sld [smem:$0x3FB4]  }
0x2b: {  	s6 =	sld [smem:$0x3FB5]  }
0x2c: {  	s7 =	sld [smem:$0x3FB6]  }
0x2d: {  	s3 =	simm.s32 $0x108;
	s8 =	sld [smem:$0x3FB7]  }
0x2e: {  	s3 =	simm.s32 @!p0 $0x1082;
	s9 =	sld [smem:$0x3FB8]  }
0x2f: {  	lr =	sadd.s32 s0, s3;
	s0 =	sld [smem:$0x3FAF]  }
0x30: {  	s3 =	sld [smem:$0x3FB2]  }
0x31: {  	[smem:$0x3FBB] =	sst s10  }
0x32: {  	s10 =	sld [smem:$0x3FB9];
	_ =	sdelay $0x3  }
0x33: {  	p0 =	seq.s32 s10, $0x1;
	s10 =	sld [smem:$0x3FBB];
	_ =	sdelay $0x3  }
0x34: {  	[smem:$0x3FBB] =	sst s10  }
0x35: {  	s10 =	sld [smem:$0x3FBA];
	_ =	sdelay $0x3  }
0x36: {  	p1 =	seq.s32 s10, $0x1;
	s10 =	sld [smem:$0x3FBB];
	_ =	sdelay $0x3  }
0x37: {  	[smem:$0x3FBB] =	sst s10  }
0x38: {  	s10 =	sld [smem:$0x3FBC]  }
0x39: {  	_ = 	snop;
	(pc) =	sbr.ind lr, $3  }
0x3a: {  	_ = 	snop  }
0x3b: {  	_ = 	snop  }
0x3c: {  	p2 =	seq.s32 s10, $0x1;
	s10 =	sld [smem:$0x3FBB]  }
0x3d: {  	_ =	shalt  }
0x3e: {  	_ =	shalt  }
0x3f: {  	_ =	shalt  }
0x40: {  	_ =	shalt  }
0x41: {  	_ =	shalt  }
0x42: {  	_ =	shalt  }
0x43: {  	_ =	shalt  }
0x44: {  	_ =	shalt  }
0x45: {  	_ =	shalt  }
0x46: {  	_ =	shalt  }
0x47: {  	_ =	shalt  }
0x48: {  	_ =	shalt  }
0x49: {  	_ =	shalt  }
0x4a: {  	_ =	shalt  }
0x4b: {  	_ =	shalt  }
0x4c: {  	_ =	shalt  }
0x4d: {  	_ =	shalt  }
0x4e: {  	_ =	shalt  }
0x4f: {  	_ =	shalt  }
0x50: {  	_ =	shalt  }
0x51: {  	_ =	shalt  }
0x52: {  	_ =	shalt  }
0x53: {  	_ =	shalt  }
0x54: {  	_ =	shalt  }
0x55: {  	_ =	shalt  }
0x56: {  	_ =	shalt  }
0x57: {  	_ =	shalt  }
0x58: {  	_ =	shalt  }
0x59: {  	_ =	shalt  }
0x5a: {  	_ =	shalt  }
0x5b: {  	_ =	shalt  }
0x5c: {  	_ =	shalt  }
0x5d: {  	_ =	shalt  }
0x5e: {  	_ =	shalt  }
0x5f: {  	_ =	shalt  }
0x60: {  	_ =	shalt  }
0x61: {  	_ =	shalt  }
0x62: {  	_ =	shalt  }
0x63: {  	_ =	shalt  }
0x64: {  	_ =	shalt  }
0x65: {  	_ =	shalt  }
0x66: {  	_ =	shalt  }
0x67: {  	_ =	shalt  }
0x68: {  	_ =	shalt  }
0x69: {  	_ =	shalt  }
0x6a: {  	_ =	shalt  }
0x6b: {  	_ =	shalt  }
0x6c: {  	_ =	shalt  }
0x6d: {  	_ =	shalt  }
0x6e: {  	_ =	shalt  }
0x6f: {  	_ =	shalt  }
0x70: {  	_ =	shalt  }
0x71: {  	_ =	shalt  }
0x72: {  	_ =	shalt  }
0x73: {  	_ =	shalt  }
0x74: {  	_ =	shalt  }
0x75: {  	_ =	shalt  }
0x76: {  	_ =	shalt  }
0x77: {  	_ =	shalt  }
0x78: {  	_ =	shalt  }
0x79: {  	_ =	shalt  }
0x7a: {  	_ =	shalt  }
0x7b: {  	_ =	shalt  }
0x7c: {  	_ =	shalt  }
0x7d: {  	_ =	shalt  }
0x7e: {  	_ =	shalt  }
0x7f: {  	_ =	shalt  }
0x80: {  	_ =	shalt  }
0x81: {  	_ =	shalt  }
0x82: {  	_ =	shalt  }
0x83: {  	_ =	shalt  }
0x84: {  	_ =	shalt  }
0x85: {  	_ =	shalt  }
0x86: {  	_ =	shalt  }
0x87: {  	_ =	shalt  }
.Lfunc_end0:
.L_simem_size_0:
called_computation_lowered:
.L_overlay_start_0:
0x88: {  	s2 =	sld [smem:$0x3FD9]  }
0x89: {  	s3 =	sld [smem:$0x3FFE];
	_ =	sdelay $0x1  }
0x8a: {  	s1 =	srdreg.scid  }
0x8b: {  	s0 =	sand.u32 $0x1, s1  }
0x8c: {  	s17 =	sshll.u32 s0, $0xA;
	s2 =	sadd.s32 s3, s2  }
0x8d: {  	s2 =	sadd.s32 s2, s17  }
0x8e: {  	[smem:$0x3FC7] =	sst s2  }
0x8f: {  	_ = 	snop  }
0x90: {  	s2 =	sld [smem:$0x3FC9];
	(tm) =	ssettm $0x1  }
0x91: {  	s18 =	sld [smem:$0x3FFB];
	_ =	sdelay $0x3  }
0x92: {  	_ =	strace s18  }
0x93: {  	s3 =	sld [smem:$0x3FFC];
	_ =	sdelay $0x3  }
0x94: {  	_ =	strace s3  }
0x95: {  	s3 =	sld [smem:$0x3FFD];
	_ =	sdelay $0x3  }
0x96: {  	_ =	strace s3  }
0x97: {  	_ =	strace $0x8FFFFFFF  }
0x98: {  	s19 =	sld [smem:$0x3FDB];
	_ =	sdelay $0x1  }
0x99: {  	s4 =	simm.s32 $_scs_section_size  }
0x9a: {  	s5 =	simm.s32 $_size__tile_overlayer_lowered;
	s6 =	simm.s32 $_tile_overlayer_lowered  }
0x9b: {  	s22 =	simm.s32 $0x1BFF;
	s21 =	sshll.u32 s6, $0x1;
	s3 =	sadd.s32 s4, s19  }
0x9c: {  	s7 =	simm.s32 $0x0;
	s20 =	sshll.u32 s5, $0x1;
	s5 =	sadd.s32 s21, s3  }
0x9d: {  	[timem:s7], [sflag:s22] =	dma.local [hbm:s5], s20  }
0x9e: {  	_ =	swait.ge [sflag:s22], s20  }
0x9f: {  	s4 =	ssub.s32 $0x0, s20;
	[sflag:s22] =	ssyncset.done $0x0  }
0xa0: {  	[sflag:s22] =	ssyncadd.s32 s4;
	_ =	sdelay $0x1  }
0xa1: {  	s23 =	simm.s32 $0x1B8B  }
0xa2: {  	_ =	swait.ge [sflag:s23], $0x1  }
0xa3: {  	[sflag:s23] =	ssyncset.done $0x0  }
0xa4: {  	s25 =	simm.s32 $0x1B8E;
	s24 =	sld [smem:$0x3FFE];
	[sflag:s23] =	ssyncadd.s32 $0xFFFFFFFF  }
0xa5: {  	s26 =	simm.s32 $execute0_lowered;
	[smem:$0x3FD2] =	sst s25  }
0xa6: {  	s5 =	sshll.u32 s26, $0x1;
	_ =	strace $0x80000046;
	[dreg:$0x1] =	wrdreg $0xFFFFFFFF  }
0xa7: {  	s28 =	simm.s32 $_size_execute0_lowered;
	s3 =	sadd.s32 s3, s5;
	[dreg:$0x0] =	wrdreg $0x0  }
0xa8: {  	s5 =	sshll.u32 s28, $0x1;
	[dreg:$0x2] =	wrdreg s3  }
0xa9: {  	[dreg:$0x3] =	wrdreg s5  }
0xaa: {  	[dreg:$0x4] =	wrdreg $0xC0  }
0xab: {  	_ =	task [dreg:s7], $0x5FFFF  }
0xac: {  	[dreg:$0x1] =	wrdreg $0xFFFFFFFF  }
0xad: {  	[dreg:$0x0] =	wrdreg $0x60  }
0xae: {  	[dreg:$0x2] =	wrdreg s2  }
0xaf: {  	[dreg:$0x3] =	wrdreg s24  }
0xb0: {  	[dreg:$0x4] =	wrdreg $0x9  }
0xb1: {  	_ =	task.clear_ibuf [dreg:s7], $0x5FFFF;
	_ =	strace $0x90000046  }
0xb2: {  	s29 =	simm.s32 $0x9;
	_ =	strace $0x80000048  }
0xb3: {  	_ =	swait.ge [sflag:s29], $0x1  }
0xb4: {  	[sflag:s29] =	ssyncadd.s32 $0xFFFFFFFF  }
0xb5: {  	_ =	strace $0x90000048  }
0xb6: {  	_ =	sfence  }
0xb7: {  	s30 =	sld [smem:$0x0];
	_ =	sdelay $0x2  }
0xb8: {  	s31 =	sshll.u32 s1, $0xD;
	s1 =	sshrl.u32 s1, $0x2  }
0xb9: {  	s3 =	sand.u32 $0x4000, s31;
	s1 =	sadd.s32 s1, s30  }
0xba: {  	s0 =	sor.u32 s3, s0;
	s1 =	sshll.u32 s1, $0x11  }
0xbb: {  	s0 =	sor.u32 s1, s0  }
0xbc: {  	s0 =	sadd.s32 $0x8F2B, s0  }
0xbd: {  	[sflag:s0] =	ssyncadd.remote.s32 $0x1  }
0xbe: {  	_ =	sfence.sel $0xFFFF  }
0xbf: {  	[dreg:$0x0] =	wrdreg $0xFFFFFFFF;
	(pc) =	sbr.abs _section_cstart, $3  }
0xc0: {  	[dreg:$0x1] =	wrdreg $0xFFFFFFFF  }
0xc1: {  	_ =	task.clear_ibuf [dreg:s7], $0x2FFFF;
	_ =	strace $0x9FFFFFFF  }
0xc2: {  	(tm) =	ssettm $0x7FFFFFFF  }
0xc3: {  	_ =	shalt  }
tec
execute0_lowered:
.L_overlay_start_1:
0x0: {  	(tag) =	ssettag $0x1  }
0x1: {  	s3 =	rddreg [dreg:$0x0]  }
0x2: {  	s4 =	rddreg [dreg:$0x1];
	s2 =	srdreg.scid  }
0x3: {  	s0 =	rddreg [dreg:$0x2];
	s1 =	stileid.u32  }
0x4: {  	s8 =	simm.s32 $0x400;
	s9 =	simm.s32 $0x2000;
	s10 =	simm.s32 $0x0  }
0x5: {  	s5 =	sand.u32 $0x1, s2;
	s2 =	simm.s32 $0x0;
	s6 =	sshll.u32 s1, $0xA  }
0x6: {  	s7 =	sshll.u32 s5, $0x9;
	[smem:$0x7FF] =	sst s2;
	s5 =	ssub.s32 $0x2, s5  }
0x7: {  	s6 =	sor.u32 s7, s6;
	_ =	strace $0x80000047;
	s31 =	sshrl.u32 s5, $0x1  }
0x8: {  	s7 =	sshll.u32 s6, $0x7;
	s6 =	sshrl.u32 s6, $0x3;
	s5 =	ssub.s32 s5, s31  }
0x9: {  	v0 =	vimm.f32 $0.0e+00;
	v2 =	vlaneseq.u32;
	s4 =	sadd.s32 s7, s4;
	s3 =	sadd.s32 s3, s6;
	s5 =	smax.u32 s5, $0x1  }
0xa: {  	v3 =	vimm.f32 $1.000000000e+00;
	v1 =	vor.u32 $0x60, v2;
	v2 =	vmul.u32 $0x80, v2;
	s6 =	simm.s32 $0x1;
	s7 =	simm.s32 $0x200;
	s4 =	sadd.s32 $0x980, s4  }
.LBB2_1:
0xb: {  	[tilespmem:s2], [sflag:$0x1] =	stream.linear.gather [hbm4b:s3+s2], $0x200, $0x38;
	[tilespmem:$0x10200] =	vst v63  }
0xc: {  	_ =	swait.ge [sflag:s6], $0x200  }
0xd: {  	[sflag:s6] =	ssyncset.done $0x0  }
0xe: {  	s11 =	simm.s32 $0x230;
	[sflag:s6] =	ssyncadd.s32 $0xFFFFFE00  }
0xf: {  	s13 =	simm.s32 $0x0;
	s12 =	simm.s32 $0x1;
	[tilespmem:s11+$0xFFFFFFE0] =	vst v0  }
.LBB2_2:
0x10: {  	p0 =	sne.s32 s12, $0x1FF;
	[tilespmem:s11+$0xFFFFFFF0] =	vst v0;
	v4 =	vor.u32 s13, v1  }
0x11: {  	[tilespmem:s11+$0x0] =	vst v0  }
.Ltmp0:
0x12: {  	[tilespmem:s11+$0x10] =	vst v0;
	(pc) =	sbr.rel @p0 .LBB2_2-.Ltmp0, $4  }
0x13: {  	[tilespmem:s11+$0x20] =	vst v0  }
0x14: {  	[tilespmem:s11+$0xFFFFFFD0] =	vst v0  }
0x15: {  	s11 =	sadd.s32 $0x80, s11;
	[tilespmem:v4+s7+$0x0] =	vst.idx.msk $0xff, v0  }
0x16: {  	s13 =	sshll.u32 s12, $0x7;
	s12 =	sadd.s32 $0x1, s12;
	[tilespmem:s11+$0xFFFFFFE0] =	vst v0  }
0x17: {  	[tilespmem:s11+$0xFFFFFFF0] =	vst v0;
	v4 =	vor.u32 s13, v1  }
0x18: {  	[tilespmem:s11+$0x0] =	vst v0  }
0x19: {  	[tilespmem:s11+$0x10] =	vst v0  }
0x1a: {  	[tilespmem:s11+$0x20] =	vst v0  }
0x1b: {  	[tilespmem:s11+$0xFFFFFFD0] =	vst v0  }
0x1c: {  	s11 =	simm.s32 $0x0;
	[tilespmem:v4+s7+$0x0] =	vst.idx.msk $0xff, v0  }
0x1d: {  	s12 =	simm.s32 $0x10;
	s13 =	simm.s32 $0x0;
	v4 =	vld [tilespmem:s11+$0x0]  }
.LBB2_4:
0x1e: {  	p0 =	sne.s32 s12, $0x1F0;
	_ =	sdelay $0x1  }
0x1f: {  	v5 =	vmov s11;
	s11 =	smov.u32 s12  }
0x20: {  	v5 =	vshll.u32 v5, $0x7  }
0x21: {  	v5 =	vor.u32 v2, v5;
	v6 =	vand.u32 $0xFFFFFF80, v4  }
0x22: {  	v7 =	vand.u32 $0x7F, v4;
	v5 =	vadd.s32 v6, v5  }
0x23: {  	vm0 =	vgt.s32 v4, $0x37F;
	v4 =	vor.u32 v7, v5  }
0x24: {  	v4 =	vadd.s32 $0xFFFFFC80, v4;
	_ =	sdelay $0x1  }
.Ltmp1:
0x25: {  	(pc) =	sbr.rel @p0 .LBB2_4-.Ltmp1, $3  }
0x26: {  	_ =	sdelay $0x1  }
0x27: {  	s13 =	sadd.s32 $0x10, s13;
	[tilespmem:v4+s7+$0x0] =	vst.idx.msk vm0, v3  }
0x28: {  	s12 =	sadd.s32 $0x10, s12;
	v4 =	vld [tilespmem:s13+$0x0]  }
0x29: {  	_ =	sdelay $0x1  }
0x2a: {  	v5 =	vmov s11  }
0x2b: {  	v5 =	vshll.u32 v5, $0x7  }
0x2c: {  	v5 =	vor.u32 v2, v5;
	v6 =	vand.u32 $0xFFFFFF80, v4  }
0x2d: {  	v7 =	vand.u32 $0x7F, v4;
	v5 =	vadd.s32 v6, v5  }
0x2e: {  	vm0 =	vgt.s32 v4, $0x37F;
	v4 =	vor.u32 v7, v5  }
0x2f: {  	v4 =	vadd.s32 $0xFFFFFC80, v4;
	_ =	sdelay $0x2  }
0x30: {  	s10 =	sadd.s32 $0x1, s10  }
0x31: {  	p0 =	sne.s32 s10, s5  }
.Ltmp2:
0x32: {  	[tilespmem:v4+s7+$0x0] =	vst.idx.msk vm0, v3;
	(pc) =	sbr.rel @p0 .LBB2_1-.Ltmp2, $4  }
0x33: {  	[hbm4b:s4+s8] =	stream.strided.scatter [tilespmem:s7], [sflag:$0x1], $0x10000, s9, s8, $0x38;
	[tilespmem:$0x10200] =	vst v63  }
0x34: {  	_ =	swait.ge [sflag:s6], $0x10000  }
0x35: {  	[sflag:s6] =	ssyncset.done $0x0  }
0x36: {  	[sflag:s6] =	ssyncadd.s32 $0xFFFF0000  }
0x37: {  	_ =	sfence.sel $0x180000  }
0x38: {  	[bflag:$0x0] =	sbarrier.arrive $0xFFFF  }
0x39: {  	p0 =	sne.s32 s1, $0x0;
	_ =	strace $0x90000047  }
0x3a: {  	s0 =	sadd.s32 @!p0 $0x100000, s0;
	[bflag:$0x2] =	sbarrier.arrive $0xFFFF  }
0x3b: {  	[sflag:s0] =	ssyncadd.tile.s32 @!p0 $0x1;
	_ =	shalt  }
.Lfunc_end2:
_tile_overlayer_lowered:
.L_overlay_start_2:
0x3c: {  	(tag) =	ssettag $0x2  }
0x3d: {  	s0 =	rddreg [dreg:$0x0];
	s2 =	stileid.u32  }
0x3e: {  	s1 =	rddreg [dreg:$0x1];
	p0 =	sne.s32 s2, $0x0  }
0x3f: {  	s3 =	rddreg [dreg:$0x2];
	[bflag:$0x3] =	sbarrier.arrive $0xFFFF;
	s2 =	simm.s32 @!p0 $0x1C01  }
0x40: {  	[timem:s3], [sflag:s2] =	dma.local @!p0 [hbm:s0], s1  }
0x41: {  	s0 =	simm.s32 @!p0 $0x1  }
0x42: {  	_ =	swait.ge @!p0 [sflag:s0], s1  }
0x43: {  	s1 =	ssub.s32 @!p0 $0x0, s1;
	[sflag:s0] =	ssyncset.done @!p0 $0x0  }
0x44: {  	[sflag:s0] =	ssyncadd.s32 @!p0 s1  }
0x45: {  	[bflag:$0x3] =	sbarrier.arrive $0xFFFF  }
0x46: {  	_ =	shalt  }

</sc_bundles>
